<compile_context>
chip_gen: v7x
topology: tpu7x:2x2x1
jax: 0.10.2.dev20260603
libtpu: 0.0.44.dev20260713+nightly
codegen_flags: <defaults>
</compile_context>

<pallas_src>
import functools

import jax
import jax.numpy as jnp
from jax import lax
from jax.experimental import pallas as pl
from jax.experimental.pallas import tpu as pltpu
from jax.experimental.pallas import tpu_sc as plsc

VOCAB = 1000000
EMBED_DIM = 32
BATCH = 16384
HIST = 200

NC, NS = 2, 16
NW = NC * NS
IDXW = 128
BPW = BATCH // NW
IPH = BPW // IDXW
LANES = 16
JB = EMBED_DIM // 8
TILE_F32 = 8 * 128
SLAB = BPW * EMBED_DIM
OUT_FLAT = HIST * EMBED_DIM * BATCH


def _body(table_hbm, idx_hbm, out_hbm,
          ibuf0, ibuf1, gbuf0, gbuf1, tbuf0, tbuf1,
          si0, si1, sg0, sg1, so0, so1):
    wid = lax.axis_index("s") * NC + lax.axis_index("c")
    ibufs = (ibuf0, ibuf1)
    gbufs = (gbuf0, gbuf1)
    tbufs = (tbuf0, tbuf1)
    sis = (si0, si1)
    sgs = (sg0, sg1)
    sos = (so0, so1)

    irow0 = wid * IPH

    def start_idx_load(h, b):
        pltpu.async_copy(
            idx_hbm.at[pl.ds(h, 1), pl.ds(irow0, IPH), :], ibufs[b], sis[b])

    def wait_idx(b):
        pltpu.make_async_copy(
            idx_hbm.at[pl.ds(0, 1), pl.ds(0, IPH), :], ibufs[b], sis[b]).wait()

    def start_gathers(b):
        for j in range(IPH):
            pltpu.async_copy(
                table_hbm.at[ibufs[b].at[0, j]],
                gbufs[b].at[pl.ds(j * IDXW, IDXW), :],
                sgs[b])

    def wait_gathers(b):
        for j in range(IPH):
            pltpu.make_async_copy(
                table_hbm.at[ibufs[b].at[0, j]],
                gbufs[b].at[pl.ds(j * IDXW, IDXW), :],
                sgs[b]).wait()

    def transpose(b):
        gbuf, tbuf = gbufs[b], tbufs[b]
        lanes = lax.iota(jnp.int32, LANES)

        def trow(r0, carry):
            j = (r0 + lanes) & 31
            dstc = ((j >> 3) << 12) + ((j & 7) << 7) + lanes
            for ib in range(IPH):
                for c0 in range(0, IDXW, LANES):
                    rows = lanes + (ib * IDXW + c0)
                    vals = plsc.load_gather(gbuf, [rows, j])
                    plsc.store_scatter(
                        tbuf, [dstc + (ib * 1024 + c0)], vals)
            return carry

        lax.fori_loop(0, EMBED_DIM, trow, 0)

    def start_store(h, b):
        for jb in range(JB):
            off = h * (JB * 128 * TILE_F32) + jb * (128 * TILE_F32) \
                + wid * (JB * TILE_F32)
            pltpu.async_copy(
                tbufs[b].at[pl.ds(jb * (JB * TILE_F32), JB * TILE_F32)],
                out_hbm.at[pl.ds(off, JB * TILE_F32)],
                sos[b])

    def wait_store(b):
        for jb in range(JB):
            pltpu.make_async_copy(
                tbufs[b].at[pl.ds(jb * (JB * TILE_F32), JB * TILE_F32)],
                out_hbm.at[pl.ds(0, JB * TILE_F32)],
                sos[b]).wait()

    def half_step(h, b):
        wait_gathers(b)

        @pl.when(h + 1 < HIST)
        def _():
            wait_idx(1 - b)
            start_gathers(1 - b)

        @pl.when(h + 2 < HIST)
        def _():
            start_idx_load(h + 2, b)

        @pl.when(h >= 2)
        def _():
            wait_store(b)

        transpose(b)
        start_store(h, b)

    start_idx_load(0, 0)
    wait_idx(0)
    start_gathers(0)
    start_idx_load(1, 1)

    def loop_body(t, carry):
        half_step(2 * t, 0)
        half_step(2 * t + 1, 1)
        return carry

    lax.fori_loop(0, HIST // 2, loop_body, 0)

    wait_store(0)
    wait_store(1)


@jax.jit
def _lookup(idx3d, table):
    mesh = plsc.VectorSubcoreMesh(
        core_axis_name="c", subcore_axis_name="s",
        num_cores=NC, num_subcores=NS)
    f = pl.kernel(
        _body,
        out_type=jax.ShapeDtypeStruct((OUT_FLAT,), jnp.float32),
        mesh=mesh,
        compiler_params=pltpu.CompilerParams(
            use_tc_tiling_on_sc=False, needs_layout_passes=False),
        scratch_types=[
            pltpu.VMEM((1, IPH, IDXW), jnp.int32),
            pltpu.VMEM((1, IPH, IDXW), jnp.int32),
            pltpu.VMEM((BPW, EMBED_DIM), jnp.float32),
            pltpu.VMEM((BPW, EMBED_DIM), jnp.float32),
            pltpu.VMEM((SLAB,), jnp.float32),
            pltpu.VMEM((SLAB,), jnp.float32),
            pltpu.SemaphoreType.DMA,
            pltpu.SemaphoreType.DMA,
            pltpu.SemaphoreType.DMA,
            pltpu.SemaphoreType.DMA,
            pltpu.SemaphoreType.DMA,
            pltpu.SemaphoreType.DMA,
        ],
    )
    return f(table, idx3d)


def kernel(x, table):
    idx3d = x.astype(jnp.int32).T.reshape(HIST, BATCH // IDXW, IDXW)
    flat = _lookup(idx3d, table)
    y = flat.reshape(HIST, JB, BATCH // IDXW, 8, IDXW)
    y = y.transpose(0, 1, 3, 2, 4).reshape(HIST, EMBED_DIM, BATCH)
    return jnp.transpose(y, (2, 0, 1))

# --- scband reference (transcript-rebuilt; emitter-appended) ---
"""Pipeline reference for scband-encoder-386547056692 (READ-ONLY COPY).

The authoritative reference and input builder live on the scoring server;
editing this copy changes nothing except your own understanding.
"""

import jax, jax.numpy as jnp
import numpy as np

VOCAB = 1000000
EMBED_DIM = 32
BATCH = 16384
HIST = 200

def setup_inputs(seed: int = 0) -> dict:
    key = jax.random.key(seed)
    k_idx, k_tab = jax.random.split(key)
    x = jax.random.randint(k_idx, (BATCH, HIST), 0, VOCAB, dtype=jnp.int64)
    table = jax.random.normal(k_tab, (VOCAB, EMBED_DIM), dtype=jnp.float32) * 0.02
    return {"x": x, "table": table}

def reference(x, table):
    # nn.Embedding forward: gather rows of the table by index
    return jnp.take(table, x, axis=0)

if __name__ == "__main__":
    import jax
    _d = setup_inputs()
    print(jax.jit(kernel)(*tuple(_d.values())))

</pallas_src>

<mosaic_0001>
#map = affine_map<(d0, d1) -> (0, 0)>
#map1 = affine_map<(d0, d1) -> (0, 0, 0)>
#map2 = affine_map<(d0, d1) -> (0)>
module attributes {stable_mosaic.version = 14 : i64} {
  func.func @_body(%arg0: i32, %arg1: i32, %arg2: memref<1000000x32xf32, #tpu.memory_space<hbm>>, %arg3: memref<200x128x128xi32, #tpu.memory_space<hbm>>, %arg4: memref<104857600xf32, #tpu.memory_space<hbm>>, %arg5: memref<1x4x128xi32, #tpu.memory_space<vmem>>, %arg6: memref<1x4x128xi32, #tpu.memory_space<vmem>>, %arg7: memref<512x32xf32, #tpu.memory_space<vmem>>, %arg8: memref<512x32xf32, #tpu.memory_space<vmem>>, %arg9: memref<16384xf32, #tpu.memory_space<vmem>>, %arg10: memref<16384xf32, #tpu.memory_space<vmem>>, %arg11: memref<!tpu.dma_semaphore, #tpu.memory_space<semaphore_mem>>, %arg12: memref<!tpu.dma_semaphore, #tpu.memory_space<semaphore_mem>>, %arg13: memref<!tpu.dma_semaphore, #tpu.memory_space<semaphore_mem>>, %arg14: memref<!tpu.dma_semaphore, #tpu.memory_space<semaphore_mem>>, %arg15: memref<!tpu.dma_semaphore, #tpu.memory_space<semaphore_mem>>, %arg16: memref<!tpu.dma_semaphore, #tpu.memory_space<semaphore_mem>>) attributes {dimension_semantics = [#tpu.dimension_semantics<core_parallel>, #tpu.dimension_semantics<subcore_parallel>], iteration_bounds = array<i64: 2, 16>, scalar_prefetch = 0 : i64, scratch_operands = 12 : i64, tpu.core_type = #tpu.core_type<sc_vector_subcore>, window_params = [{transform_indices = #map}, {transform_indices = #map1}, {transform_indices = #map2}]} {
    %mul3A = arith.constant 2 : i32
    %mul3A_0 = arith.muli %arg1, %mul3A : i32
    %add3A = arith.addi %mul3A_0, %arg0 : i32
    %mul3A_1 = arith.constant 4 : i32
    %mul3A_2 = arith.muli %add3A, %mul3A_1 : i32
    %dma_start3A = arith.constant 0 : i32
    %dma_start3A_3 = arith.constant 0 : i32
    %dma_start3A_4 = tpu.memref_slice %arg3[%dma_start3A, %mul3A_2, %dma_start3A_3] : memref<200x128x128xi32, #tpu.memory_space<hbm>> -> memref<1x4x128xi32, #tpu.memory_space<hbm>>
    %dma_start3A_5 = arith.constant 0 : i32
    %dma_start3A_6 = arith.constant 0 : i32
    %dma_start3A_7 = tpu.memref_slice %arg3[%dma_start3A_5, %mul3A_2, %dma_start3A_6] : memref<200x128x128xi32, #tpu.memory_space<hbm>> -> memref<1x4x128xi32, #tpu.memory_space<hbm>>
    tpu.enqueue_dma source(%dma_start3A_7 : memref<1x4x128xi32, #tpu.memory_space<hbm>>) target(%arg5 : memref<1x4x128xi32, #tpu.memory_space<vmem>>) target_semaphore(%arg11 : memref<!tpu.dma_semaphore, #tpu.memory_space<semaphore_mem>>)
    %dma_wait3A = arith.constant 0 : i32
    %dma_wait3A_8 = arith.constant 0 : i32
    %dma_wait3A_9 = arith.constant 0 : i32
    %dma_wait3A_10 = tpu.memref_slice %arg3[%dma_wait3A, %dma_wait3A_8, %dma_wait3A_9] : memref<200x128x128xi32, #tpu.memory_space<hbm>> -> memref<1x4x128xi32, #tpu.memory_space<hbm>>
    %dma_wait3A_11 = arith.constant 0 : i32
    %dma_wait3A_12 = arith.constant 0 : i32
    %dma_wait3A_13 = arith.constant 0 : i32
    %dma_wait3A_14 = tpu.memref_slice %arg3[%dma_wait3A_11, %dma_wait3A_12, %dma_wait3A_13] : memref<200x128x128xi32, #tpu.memory_space<hbm>> -> memref<1x4x128xi32, #tpu.memory_space<hbm>>
    tpu.wait_dma2 semaphore(%arg11 : memref<!tpu.dma_semaphore, #tpu.memory_space<semaphore_mem>>) src(%dma_wait3A_14 : memref<1x4x128xi32, #tpu.memory_space<hbm>>) dst(%arg5 : memref<1x4x128xi32, #tpu.memory_space<vmem>>)
    %dma_start3A_15 = arith.constant 0 : i32
    %dma_start3A_16 = arith.constant 0 : i32
    %dma_start3A_17 = arith.constant 0 : i32
    %dma_start3A_18 = arith.constant 0 : i32
    %dma_start3A_19 = tpu.memref_slice %arg7[%dma_start3A_17, %dma_start3A_18] : memref<512x32xf32, #tpu.memory_space<vmem>> -> memref<128x32xf32, #tpu.memory_space<vmem>>
    %dma_start3A_20 = arith.constant 0 : i32
    %dma_start3A_21 = tpu.memref_slice %arg5[%dma_start3A_15, %dma_start3A_16, %dma_start3A_20] : memref<1x4x128xi32, #tpu.memory_space<vmem>> -> memref<1x1x128xi32, #tpu.memory_space<vmem>>
    %dma_start3A_22 = tpu.memref_squeeze %dma_start3A_21 : memref<1x1x128xi32, #tpu.memory_space<vmem>> -> memref<128xi32, #tpu.memory_space<vmem>>
    %dma_start3A_23 = arith.constant 0 : i32
    %dma_start3A_24 = arith.constant 0 : i32
    %dma_start3A_25 = tpu.memref_slice %arg2[%dma_start3A_23, %dma_start3A_24] : memref<1000000x32xf32, #tpu.memory_space<hbm>> -> memref<1000000x32xf32, #tpu.memory_space<hbm>>
    tpu.enqueue_indirect_dma source(%dma_start3A_25 : memref<1000000x32xf32, #tpu.memory_space<hbm>>) target(%dma_start3A_19 : memref<128x32xf32, #tpu.memory_space<vmem>>) offsets(%dma_start3A_22 : memref<128xi32, #tpu.memory_space<vmem>>) semaphore(%arg13 : memref<!tpu.dma_semaphore, #tpu.memory_space<semaphore_mem>>)
    %dma_start3A_26 = arith.constant 0 : i32
    %dma_start3A_27 = arith.constant 1 : i32
    %dma_start3A_28 = arith.constant 128 : i32
    %dma_start3A_29 = arith.constant 0 : i32
    %dma_start3A_30 = tpu.memref_slice %arg7[%dma_start3A_28, %dma_start3A_29] : memref<512x32xf32, #tpu.memory_space<vmem>> -> memref<128x32xf32, #tpu.memory_space<vmem>>
    %dma_start3A_31 = arith.constant 0 : i32
    %dma_start3A_32 = tpu.memref_slice %arg5[%dma_start3A_26, %dma_start3A_27, %dma_start3A_31] : memref<1x4x128xi32, #tpu.memory_space<vmem>> -> memref<1x1x128xi32, #tpu.memory_space<vmem>>
    %dma_start3A_33 = tpu.memref_squeeze %dma_start3A_32 : memref<1x1x128xi32, #tpu.memory_space<vmem>> -> memref<128xi32, #tpu.memory_space<vmem>>
    %dma_start3A_34 = arith.constant 0 : i32
    %dma_start3A_35 = arith.constant 0 : i32
    %dma_start3A_36 = tpu.memref_slice %arg2[%dma_start3A_34, %dma_start3A_35] : memref<1000000x32xf32, #tpu.memory_space<hbm>> -> memref<1000000x32xf32, #tpu.memory_space<hbm>>
    tpu.enqueue_indirect_dma source(%dma_start3A_36 : memref<1000000x32xf32, #tpu.memory_space<hbm>>) target(%dma_start3A_30 : memref<128x32xf32, #tpu.memory_space<vmem>>) offsets(%dma_start3A_33 : memref<128xi32, #tpu.memory_space<vmem>>) semaphore(%arg13 : memref<!tpu.dma_semaphore, #tpu.memory_space<semaphore_mem>>)
    %dma_start3A_37 = arith.constant 0 : i32
    %dma_start3A_38 = arith.constant 2 : i32
    %dma_start3A_39 = arith.constant 256 : i32
    %dma_start3A_40 = arith.constant 0 : i32
    %dma_start3A_41 = tpu.memref_slice %arg7[%dma_start3A_39, %dma_start3A_40] : memref<512x32xf32, #tpu.memory_space<vmem>> -> memref<128x32xf32, #tpu.memory_space<vmem>>
    %dma_start3A_42 = arith.constant 0 : i32
    %dma_start3A_43 = tpu.memref_slice %arg5[%dma_start3A_37, %dma_start3A_38, %dma_start3A_42] : memref<1x4x128xi32, #tpu.memory_space<vmem>> -> memref<1x1x128xi32, #tpu.memory_space<vmem>>
    %dma_start3A_44 = tpu.memref_squeeze %dma_start3A_43 : memref<1x1x128xi32, #tpu.memory_space<vmem>> -> memref<128xi32, #tpu.memory_space<vmem>>
    %dma_start3A_45 = arith.constant 0 : i32
    %dma_start3A_46 = arith.constant 0 : i32
    %dma_start3A_47 = tpu.memref_slice %arg2[%dma_start3A_45, %dma_start3A_46] : memref<1000000x32xf32, #tpu.memory_space<hbm>> -> memref<1000000x32xf32, #tpu.memory_space<hbm>>
    tpu.enqueue_indirect_dma source(%dma_start3A_47 : memref<1000000x32xf32, #tpu.memory_space<hbm>>) target(%dma_start3A_41 : memref<128x32xf32, #tpu.memory_space<vmem>>) offsets(%dma_start3A_44 : memref<128xi32, #tpu.memory_space<vmem>>) semaphore(%arg13 : memref<!tpu.dma_semaphore, #tpu.memory_space<semaphore_mem>>)
    %dma_start3A_48 = arith.constant 0 : i32
    %dma_start3A_49 = arith.constant 3 : i32
    %dma_start3A_50 = arith.constant 384 : i32
    %dma_start3A_51 = arith.constant 0 : i32
    %dma_start3A_52 = tpu.memref_slice %arg7[%dma_start3A_50, %dma_start3A_51] : memref<512x32xf32, #tpu.memory_space<vmem>> -> memref<128x32xf32, #tpu.memory_space<vmem>>
    %dma_start3A_53 = arith.constant 0 : i32
    %dma_start3A_54 = tpu.memref_slice %arg5[%dma_start3A_48, %dma_start3A_49, %dma_start3A_53] : memref<1x4x128xi32, #tpu.memory_space<vmem>> -> memref<1x1x128xi32, #tpu.memory_space<vmem>>
    %dma_start3A_55 = tpu.memref_squeeze %dma_start3A_54 : memref<1x1x128xi32, #tpu.memory_space<vmem>> -> memref<128xi32, #tpu.memory_space<vmem>>
    %dma_start3A_56 = arith.constant 0 : i32
    %dma_start3A_57 = arith.constant 0 : i32
    %dma_start3A_58 = tpu.memref_slice %arg2[%dma_start3A_56, %dma_start3A_57] : memref<1000000x32xf32, #tpu.memory_space<hbm>> -> memref<1000000x32xf32, #tpu.memory_space<hbm>>
    tpu.enqueue_indirect_dma source(%dma_start3A_58 : memref<1000000x32xf32, #tpu.memory_space<hbm>>) target(%dma_start3A_52 : memref<128x32xf32, #tpu.memory_space<vmem>>) offsets(%dma_start3A_55 : memref<128xi32, #tpu.memory_space<vmem>>) semaphore(%arg13 : memref<!tpu.dma_semaphore, #tpu.memory_space<semaphore_mem>>)
    %dma_start3A_59 = arith.constant 1 : i32
    %dma_start3A_60 = arith.constant 0 : i32
    %dma_start3A_61 = tpu.memref_slice %arg3[%dma_start3A_59, %mul3A_2, %dma_start3A_60] : memref<200x128x128xi32, #tpu.memory_space<hbm>> -> memref<1x4x128xi32, #tpu.memory_space<hbm>>
    %dma_start3A_62 = arith.constant 1 : i32
    %dma_start3A_63 = arith.constant 0 : i32
    %dma_start3A_64 = tpu.memref_slice %arg3[%dma_start3A_62, %mul3A_2, %dma_start3A_63] : memref<200x128x128xi32, #tpu.memory_space<hbm>> -> memref<1x4x128xi32, #tpu.memory_space<hbm>>
    tpu.enqueue_dma source(%dma_start3A_64 : memref<1x4x128xi32, #tpu.memory_space<hbm>>) target(%arg6 : memref<1x4x128xi32, #tpu.memory_space<vmem>>) target_semaphore(%arg12 : memref<!tpu.dma_semaphore, #tpu.memory_space<semaphore_mem>>)
    %scan3A = arith.constant 0 : i32
    %scan3A_65 = arith.constant 0 : i32
    %scan3A_66 = arith.constant 100 : i32
    %scan3A_67 = arith.addi %scan3A_65, %scan3A_66 : i32
    %scan3A_68 = arith.constant 1 : i32
    scf.for %scan3A_134 = %scan3A_65 to %scan3A_67 step %scan3A_68  : i32 {
      %mul3A_135 = arith.constant 2 : i32
      %mul3A_136 = arith.muli %mul3A_135, %scan3A_134 : i32
      %dma_wait3A_137 = arith.constant 0 : i32
      %dma_wait3A_138 = arith.constant 0 : i32
      %dma_wait3A_139 = arith.constant 0 : i32
      %dma_wait3A_140 = arith.constant 0 : i32
      %dma_wait3A_141 = tpu.memref_slice %arg7[%dma_wait3A_139, %dma_wait3A_140] : memref<512x32xf32, #tpu.memory_space<vmem>> -> memref<128x32xf32, #tpu.memory_space<vmem>>
      %dma_wait3A_142 = arith.constant 0 : i32
      %dma_wait3A_143 = tpu.memref_slice %arg5[%dma_wait3A_137, %dma_wait3A_138, %dma_wait3A_142] : memref<1x4x128xi32, #tpu.memory_space<vmem>> -> memref<1x1x128xi32, #tpu.memory_space<vmem>>
      %dma_wait3A_144 = tpu.memref_squeeze %dma_wait3A_143 : memref<1x1x128xi32, #tpu.memory_space<vmem>> -> memref<128xi32, #tpu.memory_space<vmem>>
      %dma_wait3A_145 = arith.constant 0 : i32
      %dma_wait3A_146 = arith.constant 0 : i32
      %dma_wait3A_147 = tpu.memref_slice %arg2[%dma_wait3A_145, %dma_wait3A_146] : memref<1000000x32xf32, #tpu.memory_space<hbm>> -> memref<1000000x32xf32, #tpu.memory_space<hbm>>
      tpu.wait_indirect_dma semaphore(%arg13 : memref<!tpu.dma_semaphore, #tpu.memory_space<semaphore_mem>>) src(%dma_wait3A_147 : memref<1000000x32xf32, #tpu.memory_space<hbm>>) dst(%dma_wait3A_141 : memref<128x32xf32, #tpu.memory_space<vmem>>)
      %dma_wait3A_148 = arith.constant 0 : i32
      %dma_wait3A_149 = arith.constant 1 : i32
      %dma_wait3A_150 = arith.constant 128 : i32
      %dma_wait3A_151 = arith.constant 0 : i32
      %dma_wait3A_152 = tpu.memref_slice %arg7[%dma_wait3A_150, %dma_wait3A_151] : memref<512x32xf32, #tpu.memory_space<vmem>> -> memref<128x32xf32, #tpu.memory_space<vmem>>
      %dma_wait3A_153 = arith.constant 0 : i32
      %dma_wait3A_154 = tpu.memref_slice %arg5[%dma_wait3A_148, %dma_wait3A_149, %dma_wait3A_153] : memref<1x4x128xi32, #tpu.memory_space<vmem>> -> memref<1x1x128xi32, #tpu.memory_space<vmem>>
      %dma_wait3A_155 = tpu.memref_squeeze %dma_wait3A_154 : memref<1x1x128xi32, #tpu.memory_space<vmem>> -> memref<128xi32, #tpu.memory_space<vmem>>
      %dma_wait3A_156 = arith.constant 0 : i32
      %dma_wait3A_157 = arith.constant 0 : i32
      %dma_wait3A_158 = tpu.memref_slice %arg2[%dma_wait3A_156, %dma_wait3A_157] : memref<1000000x32xf32, #tpu.memory_space<hbm>> -> memref<1000000x32xf32, #tpu.memory_space<hbm>>
      tpu.wait_indirect_dma semaphore(%arg13 : memref<!tpu.dma_semaphore, #tpu.memory_space<semaphore_mem>>) src(%dma_wait3A_158 : memref<1000000x32xf32, #tpu.memory_space<hbm>>) dst(%dma_wait3A_152 : memref<128x32xf32, #tpu.memory_space<vmem>>)
      %dma_wait3A_159 = arith.constant 0 : i32
      %dma_wait3A_160 = arith.constant 2 : i32
      %dma_wait3A_161 = arith.constant 256 : i32
      %dma_wait3A_162 = arith.constant 0 : i32
      %dma_wait3A_163 = tpu.memref_slice %arg7[%dma_wait3A_161, %dma_wait3A_162] : memref<512x32xf32, #tpu.memory_space<vmem>> -> memref<128x32xf32, #tpu.memory_space<vmem>>
      %dma_wait3A_164 = arith.constant 0 : i32
      %dma_wait3A_165 = tpu.memref_slice %arg5[%dma_wait3A_159, %dma_wait3A_160, %dma_wait3A_164] : memref<1x4x128xi32, #tpu.memory_space<vmem>> -> memref<1x1x128xi32, #tpu.memory_space<vmem>>
      %dma_wait3A_166 = tpu.memref_squeeze %dma_wait3A_165 : memref<1x1x128xi32, #tpu.memory_space<vmem>> -> memref<128xi32, #tpu.memory_space<vmem>>
      %dma_wait3A_167 = arith.constant 0 : i32
      %dma_wait3A_168 = arith.constant 0 : i32
      %dma_wait3A_169 = tpu.memref_slice %arg2[%dma_wait3A_167, %dma_wait3A_168] : memref<1000000x32xf32, #tpu.memory_space<hbm>> -> memref<1000000x32xf32, #tpu.memory_space<hbm>>
      tpu.wait_indirect_dma semaphore(%arg13 : memref<!tpu.dma_semaphore, #tpu.memory_space<semaphore_mem>>) src(%dma_wait3A_169 : memref<1000000x32xf32, #tpu.memory_space<hbm>>) dst(%dma_wait3A_163 : memref<128x32xf32, #tpu.memory_space<vmem>>)
      %dma_wait3A_170 = arith.constant 0 : i32
      %dma_wait3A_171 = arith.constant 3 : i32
      %dma_wait3A_172 = arith.constant 384 : i32
      %dma_wait3A_173 = arith.constant 0 : i32
      %dma_wait3A_174 = tpu.memref_slice %arg7[%dma_wait3A_172, %dma_wait3A_173] : memref<512x32xf32, #tpu.memory_space<vmem>> -> memref<128x32xf32, #tpu.memory_space<vmem>>
      %dma_wait3A_175 = arith.constant 0 : i32
      %dma_wait3A_176 = tpu.memref_slice %arg5[%dma_wait3A_170, %dma_wait3A_171, %dma_wait3A_175] : memref<1x4x128xi32, #tpu.memory_space<vmem>> -> memref<1x1x128xi32, #tpu.memory_space<vmem>>
      %dma_wait3A_177 = tpu.memref_squeeze %dma_wait3A_176 : memref<1x1x128xi32, #tpu.memory_space<vmem>> -> memref<128xi32, #tpu.memory_space<vmem>>
      %dma_wait3A_178 = arith.constant 0 : i32
      %dma_wait3A_179 = arith.constant 0 : i32
      %dma_wait3A_180 = tpu.memref_slice %arg2[%dma_wait3A_178, %dma_wait3A_179] : memref<1000000x32xf32, #tpu.memory_space<hbm>> -> memref<1000000x32xf32, #tpu.memory_space<hbm>>
      tpu.wait_indirect_dma semaphore(%arg13 : memref<!tpu.dma_semaphore, #tpu.memory_space<semaphore_mem>>) src(%dma_wait3A_180 : memref<1000000x32xf32, #tpu.memory_space<hbm>>) dst(%dma_wait3A_174 : memref<128x32xf32, #tpu.memory_space<vmem>>)
      %add3A_181 = arith.constant 1 : i32
      %add3A_182 = arith.addi %mul3A_136, %add3A_181 : i32
      %lt3A = arith.constant 200 : i32
      %lt3A_183 = arith.cmpi slt, %add3A_182, %lt3A : i32
      %convert_element_type3A = arith.extui %lt3A_183 : i1 to i32
      %cond3A = arith.constant 0 : i32
      %cond3A_184 = arith.cmpi ne, %convert_element_type3A, %cond3A : i32
      scf.if %cond3A_184 {
        %dma_wait3A_380 = arith.constant 0 : i32
        %dma_wait3A_381 = arith.constant 0 : i32
        %dma_wait3A_382 = arith.constant 0 : i32
        %dma_wait3A_383 = tpu.memref_slice %arg3[%dma_wait3A_380, %dma_wait3A_381, %dma_wait3A_382] : memref<200x128x128xi32, #tpu.memory_space<hbm>> -> memref<1x4x128xi32, #tpu.memory_space<hbm>>
        %dma_wait3A_384 = arith.constant 0 : i32
        %dma_wait3A_385 = arith.constant 0 : i32
        %dma_wait3A_386 = arith.constant 0 : i32
        %dma_wait3A_387 = tpu.memref_slice %arg3[%dma_wait3A_384, %dma_wait3A_385, %dma_wait3A_386] : memref<200x128x128xi32, #tpu.memory_space<hbm>> -> memref<1x4x128xi32, #tpu.memory_space<hbm>>
        tpu.wait_dma2 semaphore(%arg12 : memref<!tpu.dma_semaphore, #tpu.memory_space<semaphore_mem>>) src(%dma_wait3A_387 : memref<1x4x128xi32, #tpu.memory_space<hbm>>) dst(%arg6 : memref<1x4x128xi32, #tpu.memory_space<vmem>>)
        %dma_start3A_388 = arith.constant 0 : i32
        %dma_start3A_389 = arith.constant 0 : i32
        %dma_start3A_390 = arith.constant 0 : i32
        %dma_start3A_391 = arith.constant 0 : i32
        %dma_start3A_392 = tpu.memref_slice %arg8[%dma_start3A_390, %dma_start3A_391] : memref<512x32xf32, #tpu.memory_space<vmem>> -> memref<128x32xf32, #tpu.memory_space<vmem>>
        %dma_start3A_393 = arith.constant 0 : i32
        %dma_start3A_394 = tpu.memref_slice %arg6[%dma_start3A_388, %dma_start3A_389, %dma_start3A_393] : memref<1x4x128xi32, #tpu.memory_space<vmem>> -> memref<1x1x128xi32, #tpu.memory_space<vmem>>
        %dma_start3A_395 = tpu.memref_squeeze %dma_start3A_394 : memref<1x1x128xi32, #tpu.memory_space<vmem>> -> memref<128xi32, #tpu.memory_space<vmem>>
        %dma_start3A_396 = arith.constant 0 : i32
        %dma_start3A_397 = arith.constant 0 : i32
        %dma_start3A_398 = tpu.memref_slice %arg2[%dma_start3A_396, %dma_start3A_397] : memref<1000000x32xf32, #tpu.memory_space<hbm>> -> memref<1000000x32xf32, #tpu.memory_space<hbm>>
        tpu.enqueue_indirect_dma source(%dma_start3A_398 : memref<1000000x32xf32, #tpu.memory_space<hbm>>) target(%dma_start3A_392 : memref<128x32xf32, #tpu.memory_space<vmem>>) offsets(%dma_start3A_395 : memref<128xi32, #tpu.memory_space<vmem>>) semaphore(%arg14 : memref<!tpu.dma_semaphore, #tpu.memory_space<semaphore_mem>>)
        %dma_start3A_399 = arith.constant 0 : i32
        %dma_start3A_400 = arith.constant 1 : i32
        %dma_start3A_401 = arith.constant 128 : i32
        %dma_start3A_402 = arith.constant 0 : i32
        %dma_start3A_403 = tpu.memref_slice %arg8[%dma_start3A_401, %dma_start3A_402] : memref<512x32xf32, #tpu.memory_space<vmem>> -> memref<128x32xf32, #tpu.memory_space<vmem>>
        %dma_start3A_404 = arith.constant 0 : i32
        %dma_start3A_405 = tpu.memref_slice %arg6[%dma_start3A_399, %dma_start3A_400, %dma_start3A_404] : memref<1x4x128xi32, #tpu.memory_space<vmem>> -> memref<1x1x128xi32, #tpu.memory_space<vmem>>
        %dma_start3A_406 = tpu.memref_squeeze %dma_start3A_405 : memref<1x1x128xi32, #tpu.memory_space<vmem>> -> memref<128xi32, #tpu.memory_space<vmem>>
        %dma_start3A_407 = arith.constant 0 : i32
        %dma_start3A_408 = arith.constant 0 : i32
        %dma_start3A_409 = tpu.memref_slice %arg2[%dma_start3A_407, %dma_start3A_408] : memref<1000000x32xf32, #tpu.memory_space<hbm>> -> memref<1000000x32xf32, #tpu.memory_space<hbm>>
        tpu.enqueue_indirect_dma source(%dma_start3A_409 : memref<1000000x32xf32, #tpu.memory_space<hbm>>) target(%dma_start3A_403 : memref<128x32xf32, #tpu.memory_space<vmem>>) offsets(%dma_start3A_406 : memref<128xi32, #tpu.memory_space<vmem>>) semaphore(%arg14 : memref<!tpu.dma_semaphore, #tpu.memory_space<semaphore_mem>>)
        %dma_start3A_410 = arith.constant 0 : i32
        %dma_start3A_411 = arith.constant 2 : i32
        %dma_start3A_412 = arith.constant 256 : i32
        %dma_start3A_413 = arith.constant 0 : i32
        %dma_start3A_414 = tpu.memref_slice %arg8[%dma_start3A_412, %dma_start3A_413] : memref<512x32xf32, #tpu.memory_space<vmem>> -> memref<128x32xf32, #tpu.memory_space<vmem>>
        %dma_start3A_415 = arith.constant 0 : i32
        %dma_start3A_416 = tpu.memref_slice %arg6[%dma_start3A_410, %dma_start3A_411, %dma_start3A_415] : memref<1x4x128xi32, #tpu.memory_space<vmem>> -> memref<1x1x128xi32, #tpu.memory_space<vmem>>
        %dma_start3A_417 = tpu.memref_squeeze %dma_start3A_416 : memref<1x1x128xi32, #tpu.memory_space<vmem>> -> memref<128xi32, #tpu.memory_space<vmem>>
        %dma_start3A_418 = arith.constant 0 : i32
        %dma_start3A_419 = arith.constant 0 : i32
        %dma_start3A_420 = tpu.memref_slice %arg2[%dma_start3A_418, %dma_start3A_419] : memref<1000000x32xf32, #tpu.memory_space<hbm>> -> memref<1000000x32xf32, #tpu.memory_space<hbm>>
        tpu.enqueue_indirect_dma source(%dma_start3A_420 : memref<1000000x32xf32, #tpu.memory_space<hbm>>) target(%dma_start3A_414 : memref<128x32xf32, #tpu.memory_space<vmem>>) offsets(%dma_start3A_417 : memref<128xi32, #tpu.memory_space<vmem>>) semaphore(%arg14 : memref<!tpu.dma_semaphore, #tpu.memory_space<semaphore_mem>>)
        %dma_start3A_421 = arith.constant 0 : i32
        %dma_start3A_422 = arith.constant 3 : i32
        %dma_start3A_423 = arith.constant 384 : i32
        %dma_start3A_424 = arith.constant 0 : i32
        %dma_start3A_425 = tpu.memref_slice %arg8[%dma_start3A_423, %dma_start3A_424] : memref<512x32xf32, #tpu.memory_space<vmem>> -> memref<128x32xf32, #tpu.memory_space<vmem>>
        %dma_start3A_426 = arith.constant 0 : i32
        %dma_start3A_427 = tpu.memref_slice %arg6[%dma_start3A_421, %dma_start3A_422, %dma_start3A_426] : memref<1x4x128xi32, #tpu.memory_space<vmem>> -> memref<1x1x128xi32, #tpu.memory_space<vmem>>
        %dma_start3A_428 = tpu.memref_squeeze %dma_start3A_427 : memref<1x1x128xi32, #tpu.memory_space<vmem>> -> memref<128xi32, #tpu.memory_space<vmem>>
        %dma_start3A_429 = arith.constant 0 : i32
        %dma_start3A_430 = arith.constant 0 : i32
        %dma_start3A_431 = tpu.memref_slice %arg2[%dma_start3A_429, %dma_start3A_430] : memref<1000000x32xf32, #tpu.memory_space<hbm>> -> memref<1000000x32xf32, #tpu.memory_space<hbm>>
        tpu.enqueue_indirect_dma source(%dma_start3A_431 : memref<1000000x32xf32, #tpu.memory_space<hbm>>) target(%dma_start3A_425 : memref<128x32xf32, #tpu.memory_space<vmem>>) offsets(%dma_start3A_428 : memref<128xi32, #tpu.memory_space<vmem>>) semaphore(%arg14 : memref<!tpu.dma_semaphore, #tpu.memory_space<semaphore_mem>>)
      } else {
      }
      %add3A_185 = arith.constant 2 : i32
      %add3A_186 = arith.addi %mul3A_136, %add3A_185 : i32
      %lt3A_187 = arith.constant 200 : i32
      %lt3A_188 = arith.cmpi slt, %add3A_186, %lt3A_187 : i32
      %convert_element_type3A_189 = arith.extui %lt3A_188 : i1 to i32
      %cond3A_190 = arith.constant 0 : i32
      %cond3A_191 = arith.cmpi ne, %convert_element_type3A_189, %cond3A_190 : i32
      scf.if %cond3A_191 {
        %add3A_380 = arith.constant 2 : i32
        %add3A_381 = arith.addi %mul3A_136, %add3A_380 : i32
        %dma_start3A_382 = arith.constant 0 : i32
        %dma_start3A_383 = tpu.memref_slice %arg3[%add3A_381, %mul3A_2, %dma_start3A_382] : memref<200x128x128xi32, #tpu.memory_space<hbm>> -> memref<1x4x128xi32, #tpu.memory_space<hbm>>
        %dma_start3A_384 = arith.constant 0 : i32
        %dma_start3A_385 = tpu.memref_slice %arg3[%add3A_381, %mul3A_2, %dma_start3A_384] : memref<200x128x128xi32, #tpu.memory_space<hbm>> -> memref<1x4x128xi32, #tpu.memory_space<hbm>>
        tpu.enqueue_dma source(%dma_start3A_385 : memref<1x4x128xi32, #tpu.memory_space<hbm>>) target(%arg5 : memref<1x4x128xi32, #tpu.memory_space<vmem>>) target_semaphore(%arg11 : memref<!tpu.dma_semaphore, #tpu.memory_space<semaphore_mem>>)
      } else {
      }
      %ge3A = arith.constant 2 : i32
      %ge3A_192 = arith.cmpi sge, %mul3A_136, %ge3A : i32
      %convert_element_type3A_193 = arith.extui %ge3A_192 : i1 to i32
      %cond3A_194 = arith.constant 0 : i32
      %cond3A_195 = arith.cmpi ne, %convert_element_type3A_193, %cond3A_194 : i32
      scf.if %cond3A_195 {
        %dma_wait3A_380 = arith.constant 0 : i32
        %dma_wait3A_381 = tpu.memref_slice %arg9[%dma_wait3A_380] : memref<16384xf32, #tpu.memory_space<vmem>> -> memref<4096xf32, #tpu.memory_space<vmem>>
        %dma_wait3A_382 = arith.constant 0 : i32
        %dma_wait3A_383 = tpu.memref_slice %arg4[%dma_wait3A_382] : memref<104857600xf32, #tpu.memory_space<hbm>> -> memref<4096xf32, #tpu.memory_space<hbm>>
        %dma_wait3A_384 = arith.constant 0 : i32
        %dma_wait3A_385 = tpu.memref_slice %arg4[%dma_wait3A_384] : memref<104857600xf32, #tpu.memory_space<hbm>> -> memref<4096xf32, #tpu.memory_space<hbm>>
        %dma_wait3A_386 = arith.constant 0 : i32
        %dma_wait3A_387 = tpu.memref_slice %arg9[%dma_wait3A_386] : memref<16384xf32, #tpu.memory_space<vmem>> -> memref<4096xf32, #tpu.memory_space<vmem>>
        tpu.wait_dma2 semaphore(%arg15 : memref<!tpu.dma_semaphore, #tpu.memory_space<semaphore_mem>>) src(%dma_wait3A_387 : memref<4096xf32, #tpu.memory_space<vmem>>) dst(%dma_wait3A_385 : memref<4096xf32, #tpu.memory_space<hbm>>)
        %dma_wait3A_388 = arith.constant 4096 : i32
        %dma_wait3A_389 = tpu.memref_slice %arg9[%dma_wait3A_388] : memref<16384xf32, #tpu.memory_space<vmem>> -> memref<4096xf32, #tpu.memory_space<vmem>>
        %dma_wait3A_390 = arith.constant 0 : i32
        %dma_wait3A_391 = tpu.memref_slice %arg4[%dma_wait3A_390] : memref<104857600xf32, #tpu.memory_space<hbm>> -> memref<4096xf32, #tpu.memory_space<hbm>>
        %dma_wait3A_392 = arith.constant 0 : i32
        %dma_wait3A_393 = tpu.memref_slice %arg4[%dma_wait3A_392] : memref<104857600xf32, #tpu.memory_space<hbm>> -> memref<4096xf32, #tpu.memory_space<hbm>>
        %dma_wait3A_394 = arith.constant 4096 : i32
        %dma_wait3A_395 = tpu.memref_slice %arg9[%dma_wait3A_394] : memref<16384xf32, #tpu.memory_space<vmem>> -> memref<4096xf32, #tpu.memory_space<vmem>>
        tpu.wait_dma2 semaphore(%arg15 : memref<!tpu.dma_semaphore, #tpu.memory_space<semaphore_mem>>) src(%dma_wait3A_395 : memref<4096xf32, #tpu.memory_space<vmem>>) dst(%dma_wait3A_393 : memref<4096xf32, #tpu.memory_space<hbm>>)
        %dma_wait3A_396 = arith.constant 8192 : i32
        %dma_wait3A_397 = tpu.memref_slice %arg9[%dma_wait3A_396] : memref<16384xf32, #tpu.memory_space<vmem>> -> memref<4096xf32, #tpu.memory_space<vmem>>
        %dma_wait3A_398 = arith.constant 0 : i32
        %dma_wait3A_399 = tpu.memref_slice %arg4[%dma_wait3A_398] : memref<104857600xf32, #tpu.memory_space<hbm>> -> memref<4096xf32, #tpu.memory_space<hbm>>
        %dma_wait3A_400 = arith.constant 0 : i32
        %dma_wait3A_401 = tpu.memref_slice %arg4[%dma_wait3A_400] : memref<104857600xf32, #tpu.memory_space<hbm>> -> memref<4096xf32, #tpu.memory_space<hbm>>
        %dma_wait3A_402 = arith.constant 8192 : i32
        %dma_wait3A_403 = tpu.memref_slice %arg9[%dma_wait3A_402] : memref<16384xf32, #tpu.memory_space<vmem>> -> memref<4096xf32, #tpu.memory_space<vmem>>
        tpu.wait_dma2 semaphore(%arg15 : memref<!tpu.dma_semaphore, #tpu.memory_space<semaphore_mem>>) src(%dma_wait3A_403 : memref<4096xf32, #tpu.memory_space<vmem>>) dst(%dma_wait3A_401 : memref<4096xf32, #tpu.memory_space<hbm>>)
        %dma_wait3A_404 = arith.constant 12288 : i32
        %dma_wait3A_405 = tpu.memref_slice %arg9[%dma_wait3A_404] : memref<16384xf32, #tpu.memory_space<vmem>> -> memref<4096xf32, #tpu.memory_space<vmem>>
        %dma_wait3A_406 = arith.constant 0 : i32
        %dma_wait3A_407 = tpu.memref_slice %arg4[%dma_wait3A_406] : memref<104857600xf32, #tpu.memory_space<hbm>> -> memref<4096xf32, #tpu.memory_space<hbm>>
        %dma_wait3A_408 = arith.constant 0 : i32
        %dma_wait3A_409 = tpu.memref_slice %arg4[%dma_wait3A_408] : memref<104857600xf32, #tpu.memory_space<hbm>> -> memref<4096xf32, #tpu.memory_space<hbm>>
        %dma_wait3A_410 = arith.constant 12288 : i32
        %dma_wait3A_411 = tpu.memref_slice %arg9[%dma_wait3A_410] : memref<16384xf32, #tpu.memory_space<vmem>> -> memref<4096xf32, #tpu.memory_space<vmem>>
        tpu.wait_dma2 semaphore(%arg15 : memref<!tpu.dma_semaphore, #tpu.memory_space<semaphore_mem>>) src(%dma_wait3A_411 : memref<4096xf32, #tpu.memory_space<vmem>>) dst(%dma_wait3A_409 : memref<4096xf32, #tpu.memory_space<hbm>>)
      } else {
      }
      %iota3A = tpu.iota {dimensions = array<i32: 0>} : vector<16xi32>
      %scan3A_196 = arith.constant 0 : i32
      %scan3A_197 = arith.constant 0 : i32
      %scan3A_198 = arith.constant 32 : i32
      %scan3A_199 = arith.addi %scan3A_197, %scan3A_198 : i32
      %scan3A_200 = arith.constant 1 : i32
      scf.for %scan3A_380 = %scan3A_197 to %scan3A_199 step %scan3A_200  : i32 {
        %add3A_381 = vector.broadcast %scan3A_380 : i32 to vector<16xi32>
        %add3A_382 = arith.addi %add3A_381, %iota3A : vector<16xi32>
        %and3A = arith.constant 31 : i32
        %and3A_383 = vector.broadcast %and3A : i32 to vector<16xi32>
        %and3A_384 = arith.andi %add3A_382, %and3A_383 : vector<16xi32>
        %shift_right_arithmetic3A = arith.constant 3 : i32
        %shift_right_arithmetic3A_385 = vector.broadcast %shift_right_arithmetic3A : i32 to vector<16xi32>
        %shift_right_arithmetic3A_386 = arith.shrsi %and3A_384, %shift_right_arithmetic3A_385 : vector<16xi32>
        %shift_left3A = arith.constant 12 : i32
        %shift_left3A_387 = vector.broadcast %shift_left3A : i32 to vector<16xi32>
        %shift_left3A_388 = arith.shli %shift_right_arithmetic3A_386, %shift_left3A_387 : vector<16xi32>
        %and3A_389 = arith.constant 7 : i32
        %and3A_390 = vector.broadcast %and3A_389 : i32 to vector<16xi32>
        %and3A_391 = arith.andi %and3A_384, %and3A_390 : vector<16xi32>
        %shift_left3A_392 = arith.constant 7 : i32
        %shift_left3A_393 = vector.broadcast %shift_left3A_392 : i32 to vector<16xi32>
        %shift_left3A_394 = arith.shli %and3A_391, %shift_left3A_393 : vector<16xi32>
        %add3A_395 = arith.addi %shift_left3A_388, %shift_left3A_394 : vector<16xi32>
        %add3A_396 = arith.addi %add3A_395, %iota3A : vector<16xi32>
        %add3A_397 = arith.constant 0 : i32
        %add3A_398 = vector.broadcast %add3A_397 : i32 to vector<16xi32>
        %add3A_399 = arith.addi %iota3A, %add3A_398 : vector<16xi32>
        %gather3A = tpu.vector_load_idx %arg7[%add3A_399, %and3A_384] : memref<512x32xf32, #tpu.memory_space<vmem>>[vector<16xi32>, vector<16xi32>], vector<16xf32>,
        %add3A_400 = arith.constant 0 : i32
        %add3A_401 = vector.broadcast %add3A_400 : i32 to vector<16xi32>
        %add3A_402 = arith.addi %add3A_396, %add3A_401 : vector<16xi32>
        tpu.vector_store_idx %arg9[%add3A_402], %gather3A : memref<16384xf32, #tpu.memory_space<vmem>>[vector<16xi32>], vector<16xf32>,
        %add3A_403 = arith.constant 16 : i32
        %add3A_404 = vector.broadcast %add3A_403 : i32 to vector<16xi32>
        %add3A_405 = arith.addi %iota3A, %add3A_404 : vector<16xi32>
        %gather3A_406 = tpu.vector_load_idx %arg7[%add3A_405, %and3A_384] : memref<512x32xf32, #tpu.memory_space<vmem>>[vector<16xi32>, vector<16xi32>], vector<16xf32>,
        %add3A_407 = arith.constant 16 : i32
        %add3A_408 = vector.broadcast %add3A_407 : i32 to vector<16xi32>
        %add3A_409 = arith.addi %add3A_396, %add3A_408 : vector<16xi32>
        tpu.vector_store_idx %arg9[%add3A_409], %gather3A_406 : memref<16384xf32, #tpu.memory_space<vmem>>[vector<16xi32>], vector<16xf32>,
        %add3A_410 = arith.constant 32 : i32
        %add3A_411 = vector.broadcast %add3A_410 : i32 to vector<16xi32>
        %add3A_412 = arith.addi %iota3A, %add3A_411 : vector<16xi32>
        %gather3A_413 = tpu.vector_load_idx %arg7[%add3A_412, %and3A_384] : memref<512x32xf32, #tpu.memory_space<vmem>>[vector<16xi32>, vector<16xi32>], vector<16xf32>,
        %add3A_414 = arith.constant 32 : i32
        %add3A_415 = vector.broadcast %add3A_414 : i32 to vector<16xi32>
        %add3A_416 = arith.addi %add3A_396, %add3A_415 : vector<16xi32>
        tpu.vector_store_idx %arg9[%add3A_416], %gather3A_413 : memref<16384xf32, #tpu.memory_space<vmem>>[vector<16xi32>], vector<16xf32>,
        %add3A_417 = arith.constant 48 : i32
        %add3A_418 = vector.broadcast %add3A_417 : i32 to vector<16xi32>
        %add3A_419 = arith.addi %iota3A, %add3A_418 : vector<16xi32>
        %gather3A_420 = tpu.vector_load_idx %arg7[%add3A_419, %and3A_384] : memref<512x32xf32, #tpu.memory_space<vmem>>[vector<16xi32>, vector<16xi32>], vector<16xf32>,
        %add3A_421 = arith.constant 48 : i32
        %add3A_422 = vector.broadcast %add3A_421 : i32 to vector<16xi32>
        %add3A_423 = arith.addi %add3A_396, %add3A_422 : vector<16xi32>
        tpu.vector_store_idx %arg9[%add3A_423], %gather3A_420 : memref<16384xf32, #tpu.memory_space<vmem>>[vector<16xi32>], vector<16xf32>,
        %add3A_424 = arith.constant 64 : i32
        %add3A_425 = vector.broadcast %add3A_424 : i32 to vector<16xi32>
        %add3A_426 = arith.addi %iota3A, %add3A_425 : vector<16xi32>
        %gather3A_427 = tpu.vector_load_idx %arg7[%add3A_426, %and3A_384] : memref<512x32xf32, #tpu.memory_space<vmem>>[vector<16xi32>, vector<16xi32>], vector<16xf32>,
        %add3A_428 = arith.constant 64 : i32
        %add3A_429 = vector.broadcast %add3A_428 : i32 to vector<16xi32>
        %add3A_430 = arith.addi %add3A_396, %add3A_429 : vector<16xi32>
        tpu.vector_store_idx %arg9[%add3A_430], %gather3A_427 : memref<16384xf32, #tpu.memory_space<vmem>>[vector<16xi32>], vector<16xf32>,
        %add3A_431 = arith.constant 80 : i32
        %add3A_432 = vector.broadcast %add3A_431 : i32 to vector<16xi32>
        %add3A_433 = arith.addi %iota3A, %add3A_432 : vector<16xi32>
        %gather3A_434 = tpu.vector_load_idx %arg7[%add3A_433, %and3A_384] : memref<512x32xf32, #tpu.memory_space<vmem>>[vector<16xi32>, vector<16xi32>], vector<16xf32>,
        %add3A_435 = arith.constant 80 : i32
        %add3A_436 = vector.broadcast %add3A_435 : i32 to vector<16xi32>
        %add3A_437 = arith.addi %add3A_396, %add3A_436 : vector<16xi32>
        tpu.vector_store_idx %arg9[%add3A_437], %gather3A_434 : memref<16384xf32, #tpu.memory_space<vmem>>[vector<16xi32>], vector<16xf32>,
        %add3A_438 = arith.constant 96 : i32
        %add3A_439 = vector.broadcast %add3A_438 : i32 to vector<16xi32>
        %add3A_440 = arith.addi %iota3A, %add3A_439 : vector<16xi32>
        %gather3A_441 = tpu.vector_load_idx %arg7[%add3A_440, %and3A_384] : memref<512x32xf32, #tpu.memory_space<vmem>>[vector<16xi32>, vector<16xi32>], vector<16xf32>,
        %add3A_442 = arith.constant 96 : i32
        %add3A_443 = vector.broadcast %add3A_442 : i32 to vector<16xi32>
        %add3A_444 = arith.addi %add3A_396, %add3A_443 : vector<16xi32>
        tpu.vector_store_idx %arg9[%add3A_444], %gather3A_441 : memref<16384xf32, #tpu.memory_space<vmem>>[vector<16xi32>], vector<16xf32>,
        %add3A_445 = arith.constant 112 : i32
        %add3A_446 = vector.broadcast %add3A_445 : i32 to vector<16xi32>
        %add3A_447 = arith.addi %iota3A, %add3A_446 : vector<16xi32>
        %gather3A_448 = tpu.vector_load_idx %arg7[%add3A_447, %and3A_384] : memref<512x32xf32, #tpu.memory_space<vmem>>[vector<16xi32>, vector<16xi32>], vector<16xf32>,
        %add3A_449 = arith.constant 112 : i32
        %add3A_450 = vector.broadcast %add3A_449 : i32 to vector<16xi32>
        %add3A_451 = arith.addi %add3A_396, %add3A_450 : vector<16xi32>
        tpu.vector_store_idx %arg9[%add3A_451], %gather3A_448 : memref<16384xf32, #tpu.memory_space<vmem>>[vector<16xi32>], vector<16xf32>,
        %add3A_452 = arith.constant 128 : i32
        %add3A_453 = vector.broadcast %add3A_452 : i32 to vector<16xi32>
        %add3A_454 = arith.addi %iota3A, %add3A_453 : vector<16xi32>
        %gather3A_455 = tpu.vector_load_idx %arg7[%add3A_454, %and3A_384] : memref<512x32xf32, #tpu.memory_space<vmem>>[vector<16xi32>, vector<16xi32>], vector<16xf32>,
        %add3A_456 = arith.constant 1024 : i32
        %add3A_457 = vector.broadcast %add3A_456 : i32 to vector<16xi32>
        %add3A_458 = arith.addi %add3A_396, %add3A_457 : vector<16xi32>
        tpu.vector_store_idx %arg9[%add3A_458], %gather3A_455 : memref<16384xf32, #tpu.memory_space<vmem>>[vector<16xi32>], vector<16xf32>,
        %add3A_459 = arith.constant 144 : i32
        %add3A_460 = vector.broadcast %add3A_459 : i32 to vector<16xi32>
        %add3A_461 = arith.addi %iota3A, %add3A_460 : vector<16xi32>
        %gather3A_462 = tpu.vector_load_idx %arg7[%add3A_461, %and3A_384] : memref<512x32xf32, #tpu.memory_space<vmem>>[vector<16xi32>, vector<16xi32>], vector<16xf32>,
        %add3A_463 = arith.constant 1040 : i32
        %add3A_464 = vector.broadcast %add3A_463 : i32 to vector<16xi32>
        %add3A_465 = arith.addi %add3A_396, %add3A_464 : vector<16xi32>
        tpu.vector_store_idx %arg9[%add3A_465], %gather3A_462 : memref<16384xf32, #tpu.memory_space<vmem>>[vector<16xi32>], vector<16xf32>,
        %add3A_466 = arith.constant 160 : i32
        %add3A_467 = vector.broadcast %add3A_466 : i32 to vector<16xi32>
        %add3A_468 = arith.addi %iota3A, %add3A_467 : vector<16xi32>
        %gather3A_469 = tpu.vector_load_idx %arg7[%add3A_468, %and3A_384] : memref<512x32xf32, #tpu.memory_space<vmem>>[vector<16xi32>, vector<16xi32>], vector<16xf32>,
        %add3A_470 = arith.constant 1056 : i32
        %add3A_471 = vector.broadcast %add3A_470 : i32 to vector<16xi32>
        %add3A_472 = arith.addi %add3A_396, %add3A_471 : vector<16xi32>
        tpu.vector_store_idx %arg9[%add3A_472], %gather3A_469 : memref<16384xf32, #tpu.memory_space<vmem>>[vector<16xi32>], vector<16xf32>,
        %add3A_473 = arith.constant 176 : i32
        %add3A_474 = vector.broadcast %add3A_473 : i32 to vector<16xi32>
        %add3A_475 = arith.addi %iota3A, %add3A_474 : vector<16xi32>
        %gather3A_476 = tpu.vector_load_idx %arg7[%add3A_475, %and3A_384] : memref<512x32xf32, #tpu.memory_space<vmem>>[vector<16xi32>, vector<16xi32>], vector<16xf32>,
        %add3A_477 = arith.constant 1072 : i32
        %add3A_478 = vector.broadcast %add3A_477 : i32 to vector<16xi32>
        %add3A_479 = arith.addi %add3A_396, %add3A_478 : vector<16xi32>
        tpu.vector_store_idx %arg9[%add3A_479], %gather3A_476 : memref<16384xf32, #tpu.memory_space<vmem>>[vector<16xi32>], vector<16xf32>,
        %add3A_480 = arith.constant 192 : i32
        %add3A_481 = vector.broadcast %add3A_480 : i32 to vector<16xi32>
        %add3A_482 = arith.addi %iota3A, %add3A_481 : vector<16xi32>
        %gather3A_483 = tpu.vector_load_idx %arg7[%add3A_482, %and3A_384] : memref<512x32xf32, #tpu.memory_space<vmem>>[vector<16xi32>, vector<16xi32>], vector<16xf32>,
        %add3A_484 = arith.constant 1088 : i32
        %add3A_485 = vector.broadcast %add3A_484 : i32 to vector<16xi32>
        %add3A_486 = arith.addi %add3A_396, %add3A_485 : vector<16xi32>
        tpu.vector_store_idx %arg9[%add3A_486], %gather3A_483 : memref<16384xf32, #tpu.memory_space<vmem>>[vector<16xi32>], vector<16xf32>,
        %add3A_487 = arith.constant 208 : i32
        %add3A_488 = vector.broadcast %add3A_487 : i32 to vector<16xi32>
        %add3A_489 = arith.addi %iota3A, %add3A_488 : vector<16xi32>
        %gather3A_490 = tpu.vector_load_idx %arg7[%add3A_489, %and3A_384] : memref<512x32xf32, #tpu.memory_space<vmem>>[vector<16xi32>, vector<16xi32>], vector<16xf32>,
        %add3A_491 = arith.constant 1104 : i32
        %add3A_492 = vector.broadcast %add3A_491 : i32 to vector<16xi32>
        %add3A_493 = arith.addi %add3A_396, %add3A_492 : vector<16xi32>
        tpu.vector_store_idx %arg9[%add3A_493], %gather3A_490 : memref<16384xf32, #tpu.memory_space<vmem>>[vector<16xi32>], vector<16xf32>,
        %add3A_494 = arith.constant 224 : i32
        %add3A_495 = vector.broadcast %add3A_494 : i32 to vector<16xi32>
        %add3A_496 = arith.addi %iota3A, %add3A_495 : vector<16xi32>
        %gather3A_497 = tpu.vector_load_idx %arg7[%add3A_496, %and3A_384] : memref<512x32xf32, #tpu.memory_space<vmem>>[vector<16xi32>, vector<16xi32>], vector<16xf32>,
        %add3A_498 = arith.constant 1120 : i32
        %add3A_499 = vector.broadcast %add3A_498 : i32 to vector<16xi32>
        %add3A_500 = arith.addi %add3A_396, %add3A_499 : vector<16xi32>
        tpu.vector_store_idx %arg9[%add3A_500], %gather3A_497 : memref<16384xf32, #tpu.memory_space<vmem>>[vector<16xi32>], vector<16xf32>,
        %add3A_501 = arith.constant 240 : i32
        %add3A_502 = vector.broadcast %add3A_501 : i32 to vector<16xi32>
        %add3A_503 = arith.addi %iota3A, %add3A_502 : vector<16xi32>
        %gather3A_504 = tpu.vector_load_idx %arg7[%add3A_503, %and3A_384] : memref<512x32xf32, #tpu.memory_space<vmem>>[vector<16xi32>, vector<16xi32>], vector<16xf32>,
        %add3A_505 = arith.constant 1136 : i32
        %add3A_506 = vector.broadcast %add3A_505 : i32 to vector<16xi32>
        %add3A_507 = arith.addi %add3A_396, %add3A_506 : vector<16xi32>
        tpu.vector_store_idx %arg9[%add3A_507], %gather3A_504 : memref<16384xf32, #tpu.memory_space<vmem>>[vector<16xi32>], vector<16xf32>,
        %add3A_508 = arith.constant 256 : i32
        %add3A_509 = vector.broadcast %add3A_508 : i32 to vector<16xi32>
        %add3A_510 = arith.addi %iota3A, %add3A_509 : vector<16xi32>
        %gather3A_511 = tpu.vector_load_idx %arg7[%add3A_510, %and3A_384] : memref<512x32xf32, #tpu.memory_space<vmem>>[vector<16xi32>, vector<16xi32>], vector<16xf32>,
        %add3A_512 = arith.constant 2048 : i32
        %add3A_513 = vector.broadcast %add3A_512 : i32 to vector<16xi32>
        %add3A_514 = arith.addi %add3A_396, %add3A_513 : vector<16xi32>
        tpu.vector_store_idx %arg9[%add3A_514], %gather3A_511 : memref<16384xf32, #tpu.memory_space<vmem>>[vector<16xi32>], vector<16xf32>,
        %add3A_515 = arith.constant 272 : i32
        %add3A_516 = vector.broadcast %add3A_515 : i32 to vector<16xi32>
        %add3A_517 = arith.addi %iota3A, %add3A_516 : vector<16xi32>
        %gather3A_518 = tpu.vector_load_idx %arg7[%add3A_517, %and3A_384] : memref<512x32xf32, #tpu.memory_space<vmem>>[vector<16xi32>, vector<16xi32>], vector<16xf32>,
        %add3A_519 = arith.constant 2064 : i32
        %add3A_520 = vector.broadcast %add3A_519 : i32 to vector<16xi32>
        %add3A_521 = arith.addi %add3A_396, %add3A_520 : vector<16xi32>
        tpu.vector_store_idx %arg9[%add3A_521], %gather3A_518 : memref<16384xf32, #tpu.memory_space<vmem>>[vector<16xi32>], vector<16xf32>,
        %add3A_522 = arith.constant 288 : i32
        %add3A_523 = vector.broadcast %add3A_522 : i32 to vector<16xi32>
        %add3A_524 = arith.addi %iota3A, %add3A_523 : vector<16xi32>
        %gather3A_525 = tpu.vector_load_idx %arg7[%add3A_524, %and3A_384] : memref<512x32xf32, #tpu.memory_space<vmem>>[vector<16xi32>, vector<16xi32>], vector<16xf32>,
        %add3A_526 = arith.constant 2080 : i32
        %add3A_527 = vector.broadcast %add3A_526 : i32 to vector<16xi32>
        %add3A_528 = arith.addi %add3A_396, %add3A_527 : vector<16xi32>
        tpu.vector_store_idx %arg9[%add3A_528], %gather3A_525 : memref<16384xf32, #tpu.memory_space<vmem>>[vector<16xi32>], vector<16xf32>,
        %add3A_529 = arith.constant 304 : i32
        %add3A_530 = vector.broadcast %add3A_529 : i32 to vector<16xi32>
        %add3A_531 = arith.addi %iota3A, %add3A_530 : vector<16xi32>
        %gather3A_532 = tpu.vector_load_idx %arg7[%add3A_531, %and3A_384] : memref<512x32xf32, #tpu.memory_space<vmem>>[vector<16xi32>, vector<16xi32>], vector<16xf32>,
        %add3A_533 = arith.constant 2096 : i32
        %add3A_534 = vector.broadcast %add3A_533 : i32 to vector<16xi32>
        %add3A_535 = arith.addi %add3A_396, %add3A_534 : vector<16xi32>
        tpu.vector_store_idx %arg9[%add3A_535], %gather3A_532 : memref<16384xf32, #tpu.memory_space<vmem>>[vector<16xi32>], vector<16xf32>,
        %add3A_536 = arith.constant 320 : i32
        %add3A_537 = vector.broadcast %add3A_536 : i32 to vector<16xi32>
        %add3A_538 = arith.addi %iota3A, %add3A_537 : vector<16xi32>
        %gather3A_539 = tpu.vector_load_idx %arg7[%add3A_538, %and3A_384] : memref<512x32xf32, #tpu.memory_space<vmem>>[vector<16xi32>, vector<16xi32>], vector<16xf32>,
        %add3A_540 = arith.constant 2112 : i32
        %add3A_541 = vector.broadcast %add3A_540 : i32 to vector<16xi32>
        %add3A_542 = arith.addi %add3A_396, %add3A_541 : vector<16xi32>
        tpu.vector_store_idx %arg9[%add3A_542], %gather3A_539 : memref<16384xf32, #tpu.memory_space<vmem>>[vector<16xi32>], vector<16xf32>,
        %add3A_543 = arith.constant 336 : i32
        %add3A_544 = vector.broadcast %add3A_543 : i32 to vector<16xi32>
        %add3A_545 = arith.addi %iota3A, %add3A_544 : vector<16xi32>
        %gather3A_546 = tpu.vector_load_idx %arg7[%add3A_545, %and3A_384] : memref<512x32xf32, #tpu.memory_space<vmem>>[vector<16xi32>, vector<16xi32>], vector<16xf32>,
        %add3A_547 = arith.constant 2128 : i32
        %add3A_548 = vector.broadcast %add3A_547 : i32 to vector<16xi32>
        %add3A_549 = arith.addi %add3A_396, %add3A_548 : vector<16xi32>
        tpu.vector_store_idx %arg9[%add3A_549], %gather3A_546 : memref<16384xf32, #tpu.memory_space<vmem>>[vector<16xi32>], vector<16xf32>,
        %add3A_550 = arith.constant 352 : i32
        %add3A_551 = vector.broadcast %add3A_550 : i32 to vector<16xi32>
        %add3A_552 = arith.addi %iota3A, %add3A_551 : vector<16xi32>
        %gather3A_553 = tpu.vector_load_idx %arg7[%add3A_552, %and3A_384] : memref<512x32xf32, #tpu.memory_space<vmem>>[vector<16xi32>, vector<16xi32>], vector<16xf32>,
        %add3A_554 = arith.constant 2144 : i32
        %add3A_555 = vector.broadcast %add3A_554 : i32 to vector<16xi32>
        %add3A_556 = arith.addi %add3A_396, %add3A_555 : vector<16xi32>
        tpu.vector_store_idx %arg9[%add3A_556], %gather3A_553 : memref<16384xf32, #tpu.memory_space<vmem>>[vector<16xi32>], vector<16xf32>,
        %add3A_557 = arith.constant 368 : i32
        %add3A_558 = vector.broadcast %add3A_557 : i32 to vector<16xi32>
        %add3A_559 = arith.addi %iota3A, %add3A_558 : vector<16xi32>
        %gather3A_560 = tpu.vector_load_idx %arg7[%add3A_559, %and3A_384] : memref<512x32xf32, #tpu.memory_space<vmem>>[vector<16xi32>, vector<16xi32>], vector<16xf32>,
        %add3A_561 = arith.constant 2160 : i32
        %add3A_562 = vector.broadcast %add3A_561 : i32 to vector<16xi32>
        %add3A_563 = arith.addi %add3A_396, %add3A_562 : vector<16xi32>
        tpu.vector_store_idx %arg9[%add3A_563], %gather3A_560 : memref<16384xf32, #tpu.memory_space<vmem>>[vector<16xi32>], vector<16xf32>,
        %add3A_564 = arith.constant 384 : i32
        %add3A_565 = vector.broadcast %add3A_564 : i32 to vector<16xi32>
        %add3A_566 = arith.addi %iota3A, %add3A_565 : vector<16xi32>
        %gather3A_567 = tpu.vector_load_idx %arg7[%add3A_566, %and3A_384] : memref<512x32xf32, #tpu.memory_space<vmem>>[vector<16xi32>, vector<16xi32>], vector<16xf32>,
        %add3A_568 = arith.constant 3072 : i32
        %add3A_569 = vector.broadcast %add3A_568 : i32 to vector<16xi32>
        %add3A_570 = arith.addi %add3A_396, %add3A_569 : vector<16xi32>
        tpu.vector_store_idx %arg9[%add3A_570], %gather3A_567 : memref<16384xf32, #tpu.memory_space<vmem>>[vector<16xi32>], vector<16xf32>,
        %add3A_571 = arith.constant 400 : i32
        %add3A_572 = vector.broadcast %add3A_571 : i32 to vector<16xi32>
        %add3A_573 = arith.addi %iota3A, %add3A_572 : vector<16xi32>
        %gather3A_574 = tpu.vector_load_idx %arg7[%add3A_573, %and3A_384] : memref<512x32xf32, #tpu.memory_space<vmem>>[vector<16xi32>, vector<16xi32>], vector<16xf32>,
        %add3A_575 = arith.constant 3088 : i32
        %add3A_576 = vector.broadcast %add3A_575 : i32 to vector<16xi32>
        %add3A_577 = arith.addi %add3A_396, %add3A_576 : vector<16xi32>
        tpu.vector_store_idx %arg9[%add3A_577], %gather3A_574 : memref<16384xf32, #tpu.memory_space<vmem>>[vector<16xi32>], vector<16xf32>,
        %add3A_578 = arith.constant 416 : i32
        %add3A_579 = vector.broadcast %add3A_578 : i32 to vector<16xi32>
        %add3A_580 = arith.addi %iota3A, %add3A_579 : vector<16xi32>
        %gather3A_581 = tpu.vector_load_idx %arg7[%add3A_580, %and3A_384] : memref<512x32xf32, #tpu.memory_space<vmem>>[vector<16xi32>, vector<16xi32>], vector<16xf32>,
        %add3A_582 = arith.constant 3104 : i32
        %add3A_583 = vector.broadcast %add3A_582 : i32 to vector<16xi32>
        %add3A_584 = arith.addi %add3A_396, %add3A_583 : vector<16xi32>
        tpu.vector_store_idx %arg9[%add3A_584], %gather3A_581 : memref<16384xf32, #tpu.memory_space<vmem>>[vector<16xi32>], vector<16xf32>,
        %add3A_585 = arith.constant 432 : i32
        %add3A_586 = vector.broadcast %add3A_585 : i32 to vector<16xi32>
        %add3A_587 = arith.addi %iota3A, %add3A_586 : vector<16xi32>
        %gather3A_588 = tpu.vector_load_idx %arg7[%add3A_587, %and3A_384] : memref<512x32xf32, #tpu.memory_space<vmem>>[vector<16xi32>, vector<16xi32>], vector<16xf32>,
        %add3A_589 = arith.constant 3120 : i32
        %add3A_590 = vector.broadcast %add3A_589 : i32 to vector<16xi32>
        %add3A_591 = arith.addi %add3A_396, %add3A_590 : vector<16xi32>
        tpu.vector_store_idx %arg9[%add3A_591], %gather3A_588 : memref<16384xf32, #tpu.memory_space<vmem>>[vector<16xi32>], vector<16xf32>,
        %add3A_592 = arith.constant 448 : i32
        %add3A_593 = vector.broadcast %add3A_592 : i32 to vector<16xi32>
        %add3A_594 = arith.addi %iota3A, %add3A_593 : vector<16xi32>
        %gather3A_595 = tpu.vector_load_idx %arg7[%add3A_594, %and3A_384] : memref<512x32xf32, #tpu.memory_space<vmem>>[vector<16xi32>, vector<16xi32>], vector<16xf32>,
        %add3A_596 = arith.constant 3136 : i32
        %add3A_597 = vector.broadcast %add3A_596 : i32 to vector<16xi32>
        %add3A_598 = arith.addi %add3A_396, %add3A_597 : vector<16xi32>
        tpu.vector_store_idx %arg9[%add3A_598], %gather3A_595 : memref<16384xf32, #tpu.memory_space<vmem>>[vector<16xi32>], vector<16xf32>,
        %add3A_599 = arith.constant 464 : i32
        %add3A_600 = vector.broadcast %add3A_599 : i32 to vector<16xi32>
        %add3A_601 = arith.addi %iota3A, %add3A_600 : vector<16xi32>
        %gather3A_602 = tpu.vector_load_idx %arg7[%add3A_601, %and3A_384] : memref<512x32xf32, #tpu.memory_space<vmem>>[vector<16xi32>, vector<16xi32>], vector<16xf32>,
        %add3A_603 = arith.constant 3152 : i32
        %add3A_604 = vector.broadcast %add3A_603 : i32 to vector<16xi32>
        %add3A_605 = arith.addi %add3A_396, %add3A_604 : vector<16xi32>
        tpu.vector_store_idx %arg9[%add3A_605], %gather3A_602 : memref<16384xf32, #tpu.memory_space<vmem>>[vector<16xi32>], vector<16xf32>,
        %add3A_606 = arith.constant 480 : i32
        %add3A_607 = vector.broadcast %add3A_606 : i32 to vector<16xi32>
        %add3A_608 = arith.addi %iota3A, %add3A_607 : vector<16xi32>
        %gather3A_609 = tpu.vector_load_idx %arg7[%add3A_608, %and3A_384] : memref<512x32xf32, #tpu.memory_space<vmem>>[vector<16xi32>, vector<16xi32>], vector<16xf32>,
        %add3A_610 = arith.constant 3168 : i32
        %add3A_611 = vector.broadcast %add3A_610 : i32 to vector<16xi32>
        %add3A_612 = arith.addi %add3A_396, %add3A_611 : vector<16xi32>
        tpu.vector_store_idx %arg9[%add3A_612], %gather3A_609 : memref<16384xf32, #tpu.memory_space<vmem>>[vector<16xi32>], vector<16xf32>,
        %add3A_613 = arith.constant 496 : i32
        %add3A_614 = vector.broadcast %add3A_613 : i32 to vector<16xi32>
        %add3A_615 = arith.addi %iota3A, %add3A_614 : vector<16xi32>
        %gather3A_616 = tpu.vector_load_idx %arg7[%add3A_615, %and3A_384] : memref<512x32xf32, #tpu.memory_space<vmem>>[vector<16xi32>, vector<16xi32>], vector<16xf32>,
        %add3A_617 = arith.constant 3184 : i32
        %add3A_618 = vector.broadcast %add3A_617 : i32 to vector<16xi32>
        %add3A_619 = arith.addi %add3A_396, %add3A_618 : vector<16xi32>
        tpu.vector_store_idx %arg9[%add3A_619], %gather3A_616 : memref<16384xf32, #tpu.memory_space<vmem>>[vector<16xi32>], vector<16xf32>,
      }
      %scan3A_201 = arith.constant 32 : i32
      %mul3A_202 = arith.constant 524288 : i32
      %mul3A_203 = arith.muli %mul3A_136, %mul3A_202 : i32
      %add3A_204 = arith.constant 0 : i32
      %add3A_205 = arith.addi %mul3A_203, %add3A_204 : i32
      %mul3A_206 = arith.constant 4096 : i32
      %mul3A_207 = arith.muli %add3A, %mul3A_206 : i32
      %add3A_208 = arith.addi %add3A_205, %mul3A_207 : i32
      %dma_start3A_209 = arith.constant 0 : i32
      %dma_start3A_210 = tpu.memref_slice %arg9[%dma_start3A_209] : memref<16384xf32, #tpu.memory_space<vmem>> -> memref<4096xf32, #tpu.memory_space<vmem>>
      %dma_start3A_211 = tpu.memref_slice %arg4[%add3A_208] : memref<104857600xf32, #tpu.memory_space<hbm>> -> memref<4096xf32, #tpu.memory_space<hbm>>
      %dma_start3A_212 = tpu.memref_slice %arg4[%add3A_208] : memref<104857600xf32, #tpu.memory_space<hbm>> -> memref<4096xf32, #tpu.memory_space<hbm>>
      %dma_start3A_213 = arith.constant 0 : i32
      %dma_start3A_214 = tpu.memref_slice %arg9[%dma_start3A_213] : memref<16384xf32, #tpu.memory_space<vmem>> -> memref<4096xf32, #tpu.memory_space<vmem>>
      tpu.enqueue_dma source(%dma_start3A_214 : memref<4096xf32, #tpu.memory_space<vmem>>) target(%dma_start3A_212 : memref<4096xf32, #tpu.memory_space<hbm>>) target_semaphore(%arg15 : memref<!tpu.dma_semaphore, #tpu.memory_space<semaphore_mem>>)
      %mul3A_215 = arith.constant 524288 : i32
      %mul3A_216 = arith.muli %mul3A_136, %mul3A_215 : i32
      %add3A_217 = arith.constant 131072 : i32
      %add3A_218 = arith.addi %mul3A_216, %add3A_217 : i32
      %mul3A_219 = arith.constant 4096 : i32
      %mul3A_220 = arith.muli %add3A, %mul3A_219 : i32
      %add3A_221 = arith.addi %add3A_218, %mul3A_220 : i32
      %dma_start3A_222 = arith.constant 4096 : i32
      %dma_start3A_223 = tpu.memref_slice %arg9[%dma_start3A_222] : memref<16384xf32, #tpu.memory_space<vmem>> -> memref<4096xf32, #tpu.memory_space<vmem>>
      %dma_start3A_224 = tpu.memref_slice %arg4[%add3A_221] : memref<104857600xf32, #tpu.memory_space<hbm>> -> memref<4096xf32, #tpu.memory_space<hbm>>
      %dma_start3A_225 = tpu.memref_slice %arg4[%add3A_221] : memref<104857600xf32, #tpu.memory_space<hbm>> -> memref<4096xf32, #tpu.memory_space<hbm>>
      %dma_start3A_226 = arith.constant 4096 : i32
      %dma_start3A_227 = tpu.memref_slice %arg9[%dma_start3A_226] : memref<16384xf32, #tpu.memory_space<vmem>> -> memref<4096xf32, #tpu.memory_space<vmem>>
      tpu.enqueue_dma source(%dma_start3A_227 : memref<4096xf32, #tpu.memory_space<vmem>>) target(%dma_start3A_225 : memref<4096xf32, #tpu.memory_space<hbm>>) target_semaphore(%arg15 : memref<!tpu.dma_semaphore, #tpu.memory_space<semaphore_mem>>)
      %mul3A_228 = arith.constant 524288 : i32
      %mul3A_229 = arith.muli %mul3A_136, %mul3A_228 : i32
      %add3A_230 = arith.constant 262144 : i32
      %add3A_231 = arith.addi %mul3A_229, %add3A_230 : i32
      %mul3A_232 = arith.constant 4096 : i32
      %mul3A_233 = arith.muli %add3A, %mul3A_232 : i32
      %add3A_234 = arith.addi %add3A_231, %mul3A_233 : i32
      %dma_start3A_235 = arith.constant 8192 : i32
      %dma_start3A_236 = tpu.memref_slice %arg9[%dma_start3A_235] : memref<16384xf32, #tpu.memory_space<vmem>> -> memref<4096xf32, #tpu.memory_space<vmem>>
      %dma_start3A_237 = tpu.memref_slice %arg4[%add3A_234] : memref<104857600xf32, #tpu.memory_space<hbm>> -> memref<4096xf32, #tpu.memory_space<hbm>>
      %dma_start3A_238 = tpu.memref_slice %arg4[%add3A_234] : memref<104857600xf32, #tpu.memory_space<hbm>> -> memref<4096xf32, #tpu.memory_space<hbm>>
      %dma_start3A_239 = arith.constant 8192 : i32
      %dma_start3A_240 = tpu.memref_slice %arg9[%dma_start3A_239] : memref<16384xf32, #tpu.memory_space<vmem>> -> memref<4096xf32, #tpu.memory_space<vmem>>
      tpu.enqueue_dma source(%dma_start3A_240 : memref<4096xf32, #tpu.memory_space<vmem>>) target(%dma_start3A_238 : memref<4096xf32, #tpu.memory_space<hbm>>) target_semaphore(%arg15 : memref<!tpu.dma_semaphore, #tpu.memory_space<semaphore_mem>>)
      %mul3A_241 = arith.constant 524288 : i32
      %mul3A_242 = arith.muli %mul3A_136, %mul3A_241 : i32
      %add3A_243 = arith.constant 393216 : i32
      %add3A_244 = arith.addi %mul3A_242, %add3A_243 : i32
      %mul3A_245 = arith.constant 4096 : i32
      %mul3A_246 = arith.muli %add3A, %mul3A_245 : i32
      %add3A_247 = arith.addi %add3A_244, %mul3A_246 : i32
      %dma_start3A_248 = arith.constant 12288 : i32
      %dma_start3A_249 = tpu.memref_slice %arg9[%dma_start3A_248] : memref<16384xf32, #tpu.memory_space<vmem>> -> memref<4096xf32, #tpu.memory_space<vmem>>
      %dma_start3A_250 = tpu.memref_slice %arg4[%add3A_247] : memref<104857600xf32, #tpu.memory_space<hbm>> -> memref<4096xf32, #tpu.memory_space<hbm>>
      %dma_start3A_251 = tpu.memref_slice %arg4[%add3A_247] : memref<104857600xf32, #tpu.memory_space<hbm>> -> memref<4096xf32, #tpu.memory_space<hbm>>
      %dma_start3A_252 = arith.constant 12288 : i32
      %dma_start3A_253 = tpu.memref_slice %arg9[%dma_start3A_252] : memref<16384xf32, #tpu.memory_space<vmem>> -> memref<4096xf32, #tpu.memory_space<vmem>>
      tpu.enqueue_dma source(%dma_start3A_253 : memref<4096xf32, #tpu.memory_space<vmem>>) target(%dma_start3A_251 : memref<4096xf32, #tpu.memory_space<hbm>>) target_semaphore(%arg15 : memref<!tpu.dma_semaphore, #tpu.memory_space<semaphore_mem>>)
      %mul3A_254 = arith.constant 2 : i32
      %mul3A_255 = arith.muli %mul3A_254, %scan3A_134 : i32
      %add3A_256 = arith.constant 1 : i32
      %add3A_257 = arith.addi %mul3A_255, %add3A_256 : i32
      %dma_wait3A_258 = arith.constant 0 : i32
      %dma_wait3A_259 = arith.constant 0 : i32
      %dma_wait3A_260 = arith.constant 0 : i32
      %dma_wait3A_261 = arith.constant 0 : i32
      %dma_wait3A_262 = tpu.memref_slice %arg8[%dma_wait3A_260, %dma_wait3A_261] : memref<512x32xf32, #tpu.memory_space<vmem>> -> memref<128x32xf32, #tpu.memory_space<vmem>>
      %dma_wait3A_263 = arith.constant 0 : i32
      %dma_wait3A_264 = tpu.memref_slice %arg6[%dma_wait3A_258, %dma_wait3A_259, %dma_wait3A_263] : memref<1x4x128xi32, #tpu.memory_space<vmem>> -> memref<1x1x128xi32, #tpu.memory_space<vmem>>
      %dma_wait3A_265 = tpu.memref_squeeze %dma_wait3A_264 : memref<1x1x128xi32, #tpu.memory_space<vmem>> -> memref<128xi32, #tpu.memory_space<vmem>>
      %dma_wait3A_266 = arith.constant 0 : i32
      %dma_wait3A_267 = arith.constant 0 : i32
      %dma_wait3A_268 = tpu.memref_slice %arg2[%dma_wait3A_266, %dma_wait3A_267] : memref<1000000x32xf32, #tpu.memory_space<hbm>> -> memref<1000000x32xf32, #tpu.memory_space<hbm>>
      tpu.wait_indirect_dma semaphore(%arg14 : memref<!tpu.dma_semaphore, #tpu.memory_space<semaphore_mem>>) src(%dma_wait3A_268 : memref<1000000x32xf32, #tpu.memory_space<hbm>>) dst(%dma_wait3A_262 : memref<128x32xf32, #tpu.memory_space<vmem>>)
      %dma_wait3A_269 = arith.constant 0 : i32
      %dma_wait3A_270 = arith.constant 1 : i32
      %dma_wait3A_271 = arith.constant 128 : i32
      %dma_wait3A_272 = arith.constant 0 : i32
      %dma_wait3A_273 = tpu.memref_slice %arg8[%dma_wait3A_271, %dma_wait3A_272] : memref<512x32xf32, #tpu.memory_space<vmem>> -> memref<128x32xf32, #tpu.memory_space<vmem>>
      %dma_wait3A_274 = arith.constant 0 : i32
      %dma_wait3A_275 = tpu.memref_slice %arg6[%dma_wait3A_269, %dma_wait3A_270, %dma_wait3A_274] : memref<1x4x128xi32, #tpu.memory_space<vmem>> -> memref<1x1x128xi32, #tpu.memory_space<vmem>>
      %dma_wait3A_276 = tpu.memref_squeeze %dma_wait3A_275 : memref<1x1x128xi32, #tpu.memory_space<vmem>> -> memref<128xi32, #tpu.memory_space<vmem>>
      %dma_wait3A_277 = arith.constant 0 : i32
      %dma_wait3A_278 = arith.constant 0 : i32
      %dma_wait3A_279 = tpu.memref_slice %arg2[%dma_wait3A_277, %dma_wait3A_278] : memref<1000000x32xf32, #tpu.memory_space<hbm>> -> memref<1000000x32xf32, #tpu.memory_space<hbm>>
      tpu.wait_indirect_dma semaphore(%arg14 : memref<!tpu.dma_semaphore, #tpu.memory_space<semaphore_mem>>) src(%dma_wait3A_279 : memref<1000000x32xf32, #tpu.memory_space<hbm>>) dst(%dma_wait3A_273 : memref<128x32xf32, #tpu.memory_space<vmem>>)
      %dma_wait3A_280 = arith.constant 0 : i32
      %dma_wait3A_281 = arith.constant 2 : i32
      %dma_wait3A_282 = arith.constant 256 : i32
      %dma_wait3A_283 = arith.constant 0 : i32
      %dma_wait3A_284 = tpu.memref_slice %arg8[%dma_wait3A_282, %dma_wait3A_283] : memref<512x32xf32, #tpu.memory_space<vmem>> -> memref<128x32xf32, #tpu.memory_space<vmem>>
      %dma_wait3A_285 = arith.constant 0 : i32
      %dma_wait3A_286 = tpu.memref_slice %arg6[%dma_wait3A_280, %dma_wait3A_281, %dma_wait3A_285] : memref<1x4x128xi32, #tpu.memory_space<vmem>> -> memref<1x1x128xi32, #tpu.memory_space<vmem>>
      %dma_wait3A_287 = tpu.memref_squeeze %dma_wait3A_286 : memref<1x1x128xi32, #tpu.memory_space<vmem>> -> memref<128xi32, #tpu.memory_space<vmem>>
      %dma_wait3A_288 = arith.constant 0 : i32
      %dma_wait3A_289 = arith.constant 0 : i32
      %dma_wait3A_290 = tpu.memref_slice %arg2[%dma_wait3A_288, %dma_wait3A_289] : memref<1000000x32xf32, #tpu.memory_space<hbm>> -> memref<1000000x32xf32, #tpu.memory_space<hbm>>
      tpu.wait_indirect_dma semaphore(%arg14 : memref<!tpu.dma_semaphore, #tpu.memory_space<semaphore_mem>>) src(%dma_wait3A_290 : memref<1000000x32xf32, #tpu.memory_space<hbm>>) dst(%dma_wait3A_284 : memref<128x32xf32, #tpu.memory_space<vmem>>)
      %dma_wait3A_291 = arith.constant 0 : i32
      %dma_wait3A_292 = arith.constant 3 : i32
      %dma_wait3A_293 = arith.constant 384 : i32
      %dma_wait3A_294 = arith.constant 0 : i32
      %dma_wait3A_295 = tpu.memref_slice %arg8[%dma_wait3A_293, %dma_wait3A_294] : memref<512x32xf32, #tpu.memory_space<vmem>> -> memref<128x32xf32, #tpu.memory_space<vmem>>
      %dma_wait3A_296 = arith.constant 0 : i32
      %dma_wait3A_297 = tpu.memref_slice %arg6[%dma_wait3A_291, %dma_wait3A_292, %dma_wait3A_296] : memref<1x4x128xi32, #tpu.memory_space<vmem>> -> memref<1x1x128xi32, #tpu.memory_space<vmem>>
      %dma_wait3A_298 = tpu.memref_squeeze %dma_wait3A_297 : memref<1x1x128xi32, #tpu.memory_space<vmem>> -> memref<128xi32, #tpu.memory_space<vmem>>
      %dma_wait3A_299 = arith.constant 0 : i32
      %dma_wait3A_300 = arith.constant 0 : i32
      %dma_wait3A_301 = tpu.memref_slice %arg2[%dma_wait3A_299, %dma_wait3A_300] : memref<1000000x32xf32, #tpu.memory_space<hbm>> -> memref<1000000x32xf32, #tpu.memory_space<hbm>>
      tpu.wait_indirect_dma semaphore(%arg14 : memref<!tpu.dma_semaphore, #tpu.memory_space<semaphore_mem>>) src(%dma_wait3A_301 : memref<1000000x32xf32, #tpu.memory_space<hbm>>) dst(%dma_wait3A_295 : memref<128x32xf32, #tpu.memory_space<vmem>>)
      %add3A_302 = arith.constant 1 : i32
      %add3A_303 = arith.addi %add3A_257, %add3A_302 : i32
      %lt3A_304 = arith.constant 200 : i32
      %lt3A_305 = arith.cmpi slt, %add3A_303, %lt3A_304 : i32
      %convert_element_type3A_306 = arith.extui %lt3A_305 : i1 to i32
      %cond3A_307 = arith.constant 0 : i32
      %cond3A_308 = arith.cmpi ne, %convert_element_type3A_306, %cond3A_307 : i32
      scf.if %cond3A_308 {
        %dma_wait3A_380 = arith.constant 0 : i32
        %dma_wait3A_381 = arith.constant 0 : i32
        %dma_wait3A_382 = arith.constant 0 : i32
        %dma_wait3A_383 = tpu.memref_slice %arg3[%dma_wait3A_380, %dma_wait3A_381, %dma_wait3A_382] : memref<200x128x128xi32, #tpu.memory_space<hbm>> -> memref<1x4x128xi32, #tpu.memory_space<hbm>>
        %dma_wait3A_384 = arith.constant 0 : i32
        %dma_wait3A_385 = arith.constant 0 : i32
        %dma_wait3A_386 = arith.constant 0 : i32
        %dma_wait3A_387 = tpu.memref_slice %arg3[%dma_wait3A_384, %dma_wait3A_385, %dma_wait3A_386] : memref<200x128x128xi32, #tpu.memory_space<hbm>> -> memref<1x4x128xi32, #tpu.memory_space<hbm>>
        tpu.wait_dma2 semaphore(%arg11 : memref<!tpu.dma_semaphore, #tpu.memory_space<semaphore_mem>>) src(%dma_wait3A_387 : memref<1x4x128xi32, #tpu.memory_space<hbm>>) dst(%arg5 : memref<1x4x128xi32, #tpu.memory_space<vmem>>)
        %dma_start3A_388 = arith.constant 0 : i32
        %dma_start3A_389 = arith.constant 0 : i32
        %dma_start3A_390 = arith.constant 0 : i32
        %dma_start3A_391 = arith.constant 0 : i32
        %dma_start3A_392 = tpu.memref_slice %arg7[%dma_start3A_390, %dma_start3A_391] : memref<512x32xf32, #tpu.memory_space<vmem>> -> memref<128x32xf32, #tpu.memory_space<vmem>>
        %dma_start3A_393 = arith.constant 0 : i32
        %dma_start3A_394 = tpu.memref_slice %arg5[%dma_start3A_388, %dma_start3A_389, %dma_start3A_393] : memref<1x4x128xi32, #tpu.memory_space<vmem>> -> memref<1x1x128xi32, #tpu.memory_space<vmem>>
        %dma_start3A_395 = tpu.memref_squeeze %dma_start3A_394 : memref<1x1x128xi32, #tpu.memory_space<vmem>> -> memref<128xi32, #tpu.memory_space<vmem>>
        %dma_start3A_396 = arith.constant 0 : i32
        %dma_start3A_397 = arith.constant 0 : i32
        %dma_start3A_398 = tpu.memref_slice %arg2[%dma_start3A_396, %dma_start3A_397] : memref<1000000x32xf32, #tpu.memory_space<hbm>> -> memref<1000000x32xf32, #tpu.memory_space<hbm>>
        tpu.enqueue_indirect_dma source(%dma_start3A_398 : memref<1000000x32xf32, #tpu.memory_space<hbm>>) target(%dma_start3A_392 : memref<128x32xf32, #tpu.memory_space<vmem>>) offsets(%dma_start3A_395 : memref<128xi32, #tpu.memory_space<vmem>>) semaphore(%arg13 : memref<!tpu.dma_semaphore, #tpu.memory_space<semaphore_mem>>)
        %dma_start3A_399 = arith.constant 0 : i32
        %dma_start3A_400 = arith.constant 1 : i32
        %dma_start3A_401 = arith.constant 128 : i32
        %dma_start3A_402 = arith.constant 0 : i32
        %dma_start3A_403 = tpu.memref_slice %arg7[%dma_start3A_401, %dma_start3A_402] : memref<512x32xf32, #tpu.memory_space<vmem>> -> memref<128x32xf32, #tpu.memory_space<vmem>>
        %dma_start3A_404 = arith.constant 0 : i32
        %dma_start3A_405 = tpu.memref_slice %arg5[%dma_start3A_399, %dma_start3A_400, %dma_start3A_404] : memref<1x4x128xi32, #tpu.memory_space<vmem>> -> memref<1x1x128xi32, #tpu.memory_space<vmem>>
        %dma_start3A_406 = tpu.memref_squeeze %dma_start3A_405 : memref<1x1x128xi32, #tpu.memory_space<vmem>> -> memref<128xi32, #tpu.memory_space<vmem>>
        %dma_start3A_407 = arith.constant 0 : i32
        %dma_start3A_408 = arith.constant 0 : i32
        %dma_start3A_409 = tpu.memref_slice %arg2[%dma_start3A_407, %dma_start3A_408] : memref<1000000x32xf32, #tpu.memory_space<hbm>> -> memref<1000000x32xf32, #tpu.memory_space<hbm>>
        tpu.enqueue_indirect_dma source(%dma_start3A_409 : memref<1000000x32xf32, #tpu.memory_space<hbm>>) target(%dma_start3A_403 : memref<128x32xf32, #tpu.memory_space<vmem>>) offsets(%dma_start3A_406 : memref<128xi32, #tpu.memory_space<vmem>>) semaphore(%arg13 : memref<!tpu.dma_semaphore, #tpu.memory_space<semaphore_mem>>)
        %dma_start3A_410 = arith.constant 0 : i32
        %dma_start3A_411 = arith.constant 2 : i32
        %dma_start3A_412 = arith.constant 256 : i32
        %dma_start3A_413 = arith.constant 0 : i32
        %dma_start3A_414 = tpu.memref_slice %arg7[%dma_start3A_412, %dma_start3A_413] : memref<512x32xf32, #tpu.memory_space<vmem>> -> memref<128x32xf32, #tpu.memory_space<vmem>>
        %dma_start3A_415 = arith.constant 0 : i32
        %dma_start3A_416 = tpu.memref_slice %arg5[%dma_start3A_410, %dma_start3A_411, %dma_start3A_415] : memref<1x4x128xi32, #tpu.memory_space<vmem>> -> memref<1x1x128xi32, #tpu.memory_space<vmem>>
        %dma_start3A_417 = tpu.memref_squeeze %dma_start3A_416 : memref<1x1x128xi32, #tpu.memory_space<vmem>> -> memref<128xi32, #tpu.memory_space<vmem>>
        %dma_start3A_418 = arith.constant 0 : i32
        %dma_start3A_419 = arith.constant 0 : i32
        %dma_start3A_420 = tpu.memref_slice %arg2[%dma_start3A_418, %dma_start3A_419] : memref<1000000x32xf32, #tpu.memory_space<hbm>> -> memref<1000000x32xf32, #tpu.memory_space<hbm>>
        tpu.enqueue_indirect_dma source(%dma_start3A_420 : memref<1000000x32xf32, #tpu.memory_space<hbm>>) target(%dma_start3A_414 : memref<128x32xf32, #tpu.memory_space<vmem>>) offsets(%dma_start3A_417 : memref<128xi32, #tpu.memory_space<vmem>>) semaphore(%arg13 : memref<!tpu.dma_semaphore, #tpu.memory_space<semaphore_mem>>)
        %dma_start3A_421 = arith.constant 0 : i32
        %dma_start3A_422 = arith.constant 3 : i32
        %dma_start3A_423 = arith.constant 384 : i32
        %dma_start3A_424 = arith.constant 0 : i32
        %dma_start3A_425 = tpu.memref_slice %arg7[%dma_start3A_423, %dma_start3A_424] : memref<512x32xf32, #tpu.memory_space<vmem>> -> memref<128x32xf32, #tpu.memory_space<vmem>>
        %dma_start3A_426 = arith.constant 0 : i32
        %dma_start3A_427 = tpu.memref_slice %arg5[%dma_start3A_421, %dma_start3A_422, %dma_start3A_426] : memref<1x4x128xi32, #tpu.memory_space<vmem>> -> memref<1x1x128xi32, #tpu.memory_space<vmem>>
        %dma_start3A_428 = tpu.memref_squeeze %dma_start3A_427 : memref<1x1x128xi32, #tpu.memory_space<vmem>> -> memref<128xi32, #tpu.memory_space<vmem>>
        %dma_start3A_429 = arith.constant 0 : i32
        %dma_start3A_430 = arith.constant 0 : i32
        %dma_start3A_431 = tpu.memref_slice %arg2[%dma_start3A_429, %dma_start3A_430] : memref<1000000x32xf32, #tpu.memory_space<hbm>> -> memref<1000000x32xf32, #tpu.memory_space<hbm>>
        tpu.enqueue_indirect_dma source(%dma_start3A_431 : memref<1000000x32xf32, #tpu.memory_space<hbm>>) target(%dma_start3A_425 : memref<128x32xf32, #tpu.memory_space<vmem>>) offsets(%dma_start3A_428 : memref<128xi32, #tpu.memory_space<vmem>>) semaphore(%arg13 : memref<!tpu.dma_semaphore, #tpu.memory_space<semaphore_mem>>)
      } else {
      }
      %add3A_309 = arith.constant 2 : i32
      %add3A_310 = arith.addi %add3A_257, %add3A_309 : i32
      %lt3A_311 = arith.constant 200 : i32
      %lt3A_312 = arith.cmpi slt, %add3A_310, %lt3A_311 : i32
      %convert_element_type3A_313 = arith.extui %lt3A_312 : i1 to i32
      %cond3A_314 = arith.constant 0 : i32
      %cond3A_315 = arith.cmpi ne, %convert_element_type3A_313, %cond3A_314 : i32
      scf.if %cond3A_315 {
        %add3A_380 = arith.constant 2 : i32
        %add3A_381 = arith.addi %add3A_257, %add3A_380 : i32
        %dma_start3A_382 = arith.constant 0 : i32
        %dma_start3A_383 = tpu.memref_slice %arg3[%add3A_381, %mul3A_2, %dma_start3A_382] : memref<200x128x128xi32, #tpu.memory_space<hbm>> -> memref<1x4x128xi32, #tpu.memory_space<hbm>>
        %dma_start3A_384 = arith.constant 0 : i32
        %dma_start3A_385 = tpu.memref_slice %arg3[%add3A_381, %mul3A_2, %dma_start3A_384] : memref<200x128x128xi32, #tpu.memory_space<hbm>> -> memref<1x4x128xi32, #tpu.memory_space<hbm>>
        tpu.enqueue_dma source(%dma_start3A_385 : memref<1x4x128xi32, #tpu.memory_space<hbm>>) target(%arg6 : memref<1x4x128xi32, #tpu.memory_space<vmem>>) target_semaphore(%arg12 : memref<!tpu.dma_semaphore, #tpu.memory_space<semaphore_mem>>)
      } else {
      }
      %ge3A_316 = arith.constant 2 : i32
      %ge3A_317 = arith.cmpi sge, %add3A_257, %ge3A_316 : i32
      %convert_element_type3A_318 = arith.extui %ge3A_317 : i1 to i32
      %cond3A_319 = arith.constant 0 : i32
      %cond3A_320 = arith.cmpi ne, %convert_element_type3A_318, %cond3A_319 : i32
      scf.if %cond3A_320 {
        %dma_wait3A_380 = arith.constant 0 : i32
        %dma_wait3A_381 = tpu.memref_slice %arg10[%dma_wait3A_380] : memref<16384xf32, #tpu.memory_space<vmem>> -> memref<4096xf32, #tpu.memory_space<vmem>>
        %dma_wait3A_382 = arith.constant 0 : i32
        %dma_wait3A_383 = tpu.memref_slice %arg4[%dma_wait3A_382] : memref<104857600xf32, #tpu.memory_space<hbm>> -> memref<4096xf32, #tpu.memory_space<hbm>>
        %dma_wait3A_384 = arith.constant 0 : i32
        %dma_wait3A_385 = tpu.memref_slice %arg4[%dma_wait3A_384] : memref<104857600xf32, #tpu.memory_space<hbm>> -> memref<4096xf32, #tpu.memory_space<hbm>>
        %dma_wait3A_386 = arith.constant 0 : i32
        %dma_wait3A_387 = tpu.memref_slice %arg10[%dma_wait3A_386] : memref<16384xf32, #tpu.memory_space<vmem>> -> memref<4096xf32, #tpu.memory_space<vmem>>
        tpu.wait_dma2 semaphore(%arg16 : memref<!tpu.dma_semaphore, #tpu.memory_space<semaphore_mem>>) src(%dma_wait3A_387 : memref<4096xf32, #tpu.memory_space<vmem>>) dst(%dma_wait3A_385 : memref<4096xf32, #tpu.memory_space<hbm>>)
        %dma_wait3A_388 = arith.constant 4096 : i32
        %dma_wait3A_389 = tpu.memref_slice %arg10[%dma_wait3A_388] : memref<16384xf32, #tpu.memory_space<vmem>> -> memref<4096xf32, #tpu.memory_space<vmem>>
        %dma_wait3A_390 = arith.constant 0 : i32
        %dma_wait3A_391 = tpu.memref_slice %arg4[%dma_wait3A_390] : memref<104857600xf32, #tpu.memory_space<hbm>> -> memref<4096xf32, #tpu.memory_space<hbm>>
        %dma_wait3A_392 = arith.constant 0 : i32
        %dma_wait3A_393 = tpu.memref_slice %arg4[%dma_wait3A_392] : memref<104857600xf32, #tpu.memory_space<hbm>> -> memref<4096xf32, #tpu.memory_space<hbm>>
        %dma_wait3A_394 = arith.constant 4096 : i32
        %dma_wait3A_395 = tpu.memref_slice %arg10[%dma_wait3A_394] : memref<16384xf32, #tpu.memory_space<vmem>> -> memref<4096xf32, #tpu.memory_space<vmem>>
        tpu.wait_dma2 semaphore(%arg16 : memref<!tpu.dma_semaphore, #tpu.memory_space<semaphore_mem>>) src(%dma_wait3A_395 : memref<4096xf32, #tpu.memory_space<vmem>>) dst(%dma_wait3A_393 : memref<4096xf32, #tpu.memory_space<hbm>>)
        %dma_wait3A_396 = arith.constant 8192 : i32
        %dma_wait3A_397 = tpu.memref_slice %arg10[%dma_wait3A_396] : memref<16384xf32, #tpu.memory_space<vmem>> -> memref<4096xf32, #tpu.memory_space<vmem>>
        %dma_wait3A_398 = arith.constant 0 : i32
        %dma_wait3A_399 = tpu.memref_slice %arg4[%dma_wait3A_398] : memref<104857600xf32, #tpu.memory_space<hbm>> -> memref<4096xf32, #tpu.memory_space<hbm>>
        %dma_wait3A_400 = arith.constant 0 : i32
        %dma_wait3A_401 = tpu.memref_slice %arg4[%dma_wait3A_400] : memref<104857600xf32, #tpu.memory_space<hbm>> -> memref<4096xf32, #tpu.memory_space<hbm>>
        %dma_wait3A_402 = arith.constant 8192 : i32
        %dma_wait3A_403 = tpu.memref_slice %arg10[%dma_wait3A_402] : memref<16384xf32, #tpu.memory_space<vmem>> -> memref<4096xf32, #tpu.memory_space<vmem>>
        tpu.wait_dma2 semaphore(%arg16 : memref<!tpu.dma_semaphore, #tpu.memory_space<semaphore_mem>>) src(%dma_wait3A_403 : memref<4096xf32, #tpu.memory_space<vmem>>) dst(%dma_wait3A_401 : memref<4096xf32, #tpu.memory_space<hbm>>)
        %dma_wait3A_404 = arith.constant 12288 : i32
        %dma_wait3A_405 = tpu.memref_slice %arg10[%dma_wait3A_404] : memref<16384xf32, #tpu.memory_space<vmem>> -> memref<4096xf32, #tpu.memory_space<vmem>>
        %dma_wait3A_406 = arith.constant 0 : i32
        %dma_wait3A_407 = tpu.memref_slice %arg4[%dma_wait3A_406] : memref<104857600xf32, #tpu.memory_space<hbm>> -> memref<4096xf32, #tpu.memory_space<hbm>>
        %dma_wait3A_408 = arith.constant 0 : i32
        %dma_wait3A_409 = tpu.memref_slice %arg4[%dma_wait3A_408] : memref<104857600xf32, #tpu.memory_space<hbm>> -> memref<4096xf32, #tpu.memory_space<hbm>>
        %dma_wait3A_410 = arith.constant 12288 : i32
        %dma_wait3A_411 = tpu.memref_slice %arg10[%dma_wait3A_410] : memref<16384xf32, #tpu.memory_space<vmem>> -> memref<4096xf32, #tpu.memory_space<vmem>>
        tpu.wait_dma2 semaphore(%arg16 : memref<!tpu.dma_semaphore, #tpu.memory_space<semaphore_mem>>) src(%dma_wait3A_411 : memref<4096xf32, #tpu.memory_space<vmem>>) dst(%dma_wait3A_409 : memref<4096xf32, #tpu.memory_space<hbm>>)
      } else {
      }
      %iota3A_321 = tpu.iota {dimensions = array<i32: 0>} : vector<16xi32>
      %scan3A_322 = arith.constant 0 : i32
      %scan3A_323 = arith.constant 0 : i32
      %scan3A_324 = arith.constant 32 : i32
      %scan3A_325 = arith.addi %scan3A_323, %scan3A_324 : i32
      %scan3A_326 = arith.constant 1 : i32
      scf.for %scan3A_380 = %scan3A_323 to %scan3A_325 step %scan3A_326  : i32 {
        %add3A_381 = vector.broadcast %scan3A_380 : i32 to vector<16xi32>
        %add3A_382 = arith.addi %add3A_381, %iota3A_321 : vector<16xi32>
        %and3A = arith.constant 31 : i32
        %and3A_383 = vector.broadcast %and3A : i32 to vector<16xi32>
        %and3A_384 = arith.andi %add3A_382, %and3A_383 : vector<16xi32>
        %shift_right_arithmetic3A = arith.constant 3 : i32
        %shift_right_arithmetic3A_385 = vector.broadcast %shift_right_arithmetic3A : i32 to vector<16xi32>
        %shift_right_arithmetic3A_386 = arith.shrsi %and3A_384, %shift_right_arithmetic3A_385 : vector<16xi32>
        %shift_left3A = arith.constant 12 : i32
        %shift_left3A_387 = vector.broadcast %shift_left3A : i32 to vector<16xi32>
        %shift_left3A_388 = arith.shli %shift_right_arithmetic3A_386, %shift_left3A_387 : vector<16xi32>
        %and3A_389 = arith.constant 7 : i32
        %and3A_390 = vector.broadcast %and3A_389 : i32 to vector<16xi32>
        %and3A_391 = arith.andi %and3A_384, %and3A_390 : vector<16xi32>
        %shift_left3A_392 = arith.constant 7 : i32
        %shift_left3A_393 = vector.broadcast %shift_left3A_392 : i32 to vector<16xi32>
        %shift_left3A_394 = arith.shli %and3A_391, %shift_left3A_393 : vector<16xi32>
        %add3A_395 = arith.addi %shift_left3A_388, %shift_left3A_394 : vector<16xi32>
        %add3A_396 = arith.addi %add3A_395, %iota3A_321 : vector<16xi32>
        %add3A_397 = arith.constant 0 : i32
        %add3A_398 = vector.broadcast %add3A_397 : i32 to vector<16xi32>
        %add3A_399 = arith.addi %iota3A_321, %add3A_398 : vector<16xi32>
        %gather3A = tpu.vector_load_idx %arg8[%add3A_399, %and3A_384] : memref<512x32xf32, #tpu.memory_space<vmem>>[vector<16xi32>, vector<16xi32>], vector<16xf32>,
        %add3A_400 = arith.constant 0 : i32
        %add3A_401 = vector.broadcast %add3A_400 : i32 to vector<16xi32>
        %add3A_402 = arith.addi %add3A_396, %add3A_401 : vector<16xi32>
        tpu.vector_store_idx %arg10[%add3A_402], %gather3A : memref<16384xf32, #tpu.memory_space<vmem>>[vector<16xi32>], vector<16xf32>,
        %add3A_403 = arith.constant 16 : i32
        %add3A_404 = vector.broadcast %add3A_403 : i32 to vector<16xi32>
        %add3A_405 = arith.addi %iota3A_321, %add3A_404 : vector<16xi32>
        %gather3A_406 = tpu.vector_load_idx %arg8[%add3A_405, %and3A_384] : memref<512x32xf32, #tpu.memory_space<vmem>>[vector<16xi32>, vector<16xi32>], vector<16xf32>,
        %add3A_407 = arith.constant 16 : i32
        %add3A_408 = vector.broadcast %add3A_407 : i32 to vector<16xi32>
        %add3A_409 = arith.addi %add3A_396, %add3A_408 : vector<16xi32>
        tpu.vector_store_idx %arg10[%add3A_409], %gather3A_406 : memref<16384xf32, #tpu.memory_space<vmem>>[vector<16xi32>], vector<16xf32>,
        %add3A_410 = arith.constant 32 : i32
        %add3A_411 = vector.broadcast %add3A_410 : i32 to vector<16xi32>
        %add3A_412 = arith.addi %iota3A_321, %add3A_411 : vector<16xi32>
        %gather3A_413 = tpu.vector_load_idx %arg8[%add3A_412, %and3A_384] : memref<512x32xf32, #tpu.memory_space<vmem>>[vector<16xi32>, vector<16xi32>], vector<16xf32>,
        %add3A_414 = arith.constant 32 : i32
        %add3A_415 = vector.broadcast %add3A_414 : i32 to vector<16xi32>
        %add3A_416 = arith.addi %add3A_396, %add3A_415 : vector<16xi32>
        tpu.vector_store_idx %arg10[%add3A_416], %gather3A_413 : memref<16384xf32, #tpu.memory_space<vmem>>[vector<16xi32>], vector<16xf32>,
        %add3A_417 = arith.constant 48 : i32
        %add3A_418 = vector.broadcast %add3A_417 : i32 to vector<16xi32>
        %add3A_419 = arith.addi %iota3A_321, %add3A_418 : vector<16xi32>
        %gather3A_420 = tpu.vector_load_idx %arg8[%add3A_419, %and3A_384] : memref<512x32xf32, #tpu.memory_space<vmem>>[vector<16xi32>, vector<16xi32>], vector<16xf32>,
        %add3A_421 = arith.constant 48 : i32
        %add3A_422 = vector.broadcast %add3A_421 : i32 to vector<16xi32>
        %add3A_423 = arith.addi %add3A_396, %add3A_422 : vector<16xi32>
        tpu.vector_store_idx %arg10[%add3A_423], %gather3A_420 : memref<16384xf32, #tpu.memory_space<vmem>>[vector<16xi32>], vector<16xf32>,
        %add3A_424 = arith.constant 64 : i32
        %add3A_425 = vector.broadcast %add3A_424 : i32 to vector<16xi32>
        %add3A_426 = arith.addi %iota3A_321, %add3A_425 : vector<16xi32>
        %gather3A_427 = tpu.vector_load_idx %arg8[%add3A_426, %and3A_384] : memref<512x32xf32, #tpu.memory_space<vmem>>[vector<16xi32>, vector<16xi32>], vector<16xf32>,
        %add3A_428 = arith.constant 64 : i32
        %add3A_429 = vector.broadcast %add3A_428 : i32 to vector<16xi32>
        %add3A_430 = arith.addi %add3A_396, %add3A_429 : vector<16xi32>
        tpu.vector_store_idx %arg10[%add3A_430], %gather3A_427 : memref<16384xf32, #tpu.memory_space<vmem>>[vector<16xi32>], vector<16xf32>,
        %add3A_431 = arith.constant 80 : i32
        %add3A_432 = vector.broadcast %add3A_431 : i32 to vector<16xi32>
        %add3A_433 = arith.addi %iota3A_321, %add3A_432 : vector<16xi32>
        %gather3A_434 = tpu.vector_load_idx %arg8[%add3A_433, %and3A_384] : memref<512x32xf32, #tpu.memory_space<vmem>>[vector<16xi32>, vector<16xi32>], vector<16xf32>,
        %add3A_435 = arith.constant 80 : i32
        %add3A_436 = vector.broadcast %add3A_435 : i32 to vector<16xi32>
        %add3A_437 = arith.addi %add3A_396, %add3A_436 : vector<16xi32>
        tpu.vector_store_idx %arg10[%add3A_437], %gather3A_434 : memref<16384xf32, #tpu.memory_space<vmem>>[vector<16xi32>], vector<16xf32>,
        %add3A_438 = arith.constant 96 : i32
        %add3A_439 = vector.broadcast %add3A_438 : i32 to vector<16xi32>
        %add3A_440 = arith.addi %iota3A_321, %add3A_439 : vector<16xi32>
        %gather3A_441 = tpu.vector_load_idx %arg8[%add3A_440, %and3A_384] : memref<512x32xf32, #tpu.memory_space<vmem>>[vector<16xi32>, vector<16xi32>], vector<16xf32>,
        %add3A_442 = arith.constant 96 : i32
        %add3A_443 = vector.broadcast %add3A_442 : i32 to vector<16xi32>
        %add3A_444 = arith.addi %add3A_396, %add3A_443 : vector<16xi32>
        tpu.vector_store_idx %arg10[%add3A_444], %gather3A_441 : memref<16384xf32, #tpu.memory_space<vmem>>[vector<16xi32>], vector<16xf32>,
        %add3A_445 = arith.constant 112 : i32
        %add3A_446 = vector.broadcast %add3A_445 : i32 to vector<16xi32>
        %add3A_447 = arith.addi %iota3A_321, %add3A_446 : vector<16xi32>
        %gather3A_448 = tpu.vector_load_idx %arg8[%add3A_447, %and3A_384] : memref<512x32xf32, #tpu.memory_space<vmem>>[vector<16xi32>, vector<16xi32>], vector<16xf32>,
        %add3A_449 = arith.constant 112 : i32
        %add3A_450 = vector.broadcast %add3A_449 : i32 to vector<16xi32>
        %add3A_451 = arith.addi %add3A_396, %add3A_450 : vector<16xi32>
        tpu.vector_store_idx %arg10[%add3A_451], %gather3A_448 : memref<16384xf32, #tpu.memory_space<vmem>>[vector<16xi32>], vector<16xf32>,
        %add3A_452 = arith.constant 128 : i32
        %add3A_453 = vector.broadcast %add3A_452 : i32 to vector<16xi32>
        %add3A_454 = arith.addi %iota3A_321, %add3A_453 : vector<16xi32>
        %gather3A_455 = tpu.vector_load_idx %arg8[%add3A_454, %and3A_384] : memref<512x32xf32, #tpu.memory_space<vmem>>[vector<16xi32>, vector<16xi32>], vector<16xf32>,
        %add3A_456 = arith.constant 1024 : i32
        %add3A_457 = vector.broadcast %add3A_456 : i32 to vector<16xi32>
        %add3A_458 = arith.addi %add3A_396, %add3A_457 : vector<16xi32>
        tpu.vector_store_idx %arg10[%add3A_458], %gather3A_455 : memref<16384xf32, #tpu.memory_space<vmem>>[vector<16xi32>], vector<16xf32>,
        %add3A_459 = arith.constant 144 : i32
        %add3A_460 = vector.broadcast %add3A_459 : i32 to vector<16xi32>
        %add3A_461 = arith.addi %iota3A_321, %add3A_460 : vector<16xi32>
        %gather3A_462 = tpu.vector_load_idx %arg8[%add3A_461, %and3A_384] : memref<512x32xf32, #tpu.memory_space<vmem>>[vector<16xi32>, vector<16xi32>], vector<16xf32>,
        %add3A_463 = arith.constant 1040 : i32
        %add3A_464 = vector.broadcast %add3A_463 : i32 to vector<16xi32>
        %add3A_465 = arith.addi %add3A_396, %add3A_464 : vector<16xi32>
        tpu.vector_store_idx %arg10[%add3A_465], %gather3A_462 : memref<16384xf32, #tpu.memory_space<vmem>>[vector<16xi32>], vector<16xf32>,
        %add3A_466 = arith.constant 160 : i32
        %add3A_467 = vector.broadcast %add3A_466 : i32 to vector<16xi32>
        %add3A_468 = arith.addi %iota3A_321, %add3A_467 : vector<16xi32>
        %gather3A_469 = tpu.vector_load_idx %arg8[%add3A_468, %and3A_384] : memref<512x32xf32, #tpu.memory_space<vmem>>[vector<16xi32>, vector<16xi32>], vector<16xf32>,
        %add3A_470 = arith.constant 1056 : i32
        %add3A_471 = vector.broadcast %add3A_470 : i32 to vector<16xi32>
        %add3A_472 = arith.addi %add3A_396, %add3A_471 : vector<16xi32>
        tpu.vector_store_idx %arg10[%add3A_472], %gather3A_469 : memref<16384xf32, #tpu.memory_space<vmem>>[vector<16xi32>], vector<16xf32>,
        %add3A_473 = arith.constant 176 : i32
        %add3A_474 = vector.broadcast %add3A_473 : i32 to vector<16xi32>
        %add3A_475 = arith.addi %iota3A_321, %add3A_474 : vector<16xi32>
        %gather3A_476 = tpu.vector_load_idx %arg8[%add3A_475, %and3A_384] : memref<512x32xf32, #tpu.memory_space<vmem>>[vector<16xi32>, vector<16xi32>], vector<16xf32>,
        %add3A_477 = arith.constant 1072 : i32
        %add3A_478 = vector.broadcast %add3A_477 : i32 to vector<16xi32>
        %add3A_479 = arith.addi %add3A_396, %add3A_478 : vector<16xi32>
        tpu.vector_store_idx %arg10[%add3A_479], %gather3A_476 : memref<16384xf32, #tpu.memory_space<vmem>>[vector<16xi32>], vector<16xf32>,
        %add3A_480 = arith.constant 192 : i32
        %add3A_481 = vector.broadcast %add3A_480 : i32 to vector<16xi32>
        %add3A_482 = arith.addi %iota3A_321, %add3A_481 : vector<16xi32>
        %gather3A_483 = tpu.vector_load_idx %arg8[%add3A_482, %and3A_384] : memref<512x32xf32, #tpu.memory_space<vmem>>[vector<16xi32>, vector<16xi32>], vector<16xf32>,
        %add3A_484 = arith.constant 1088 : i32
        %add3A_485 = vector.broadcast %add3A_484 : i32 to vector<16xi32>
        %add3A_486 = arith.addi %add3A_396, %add3A_485 : vector<16xi32>
        tpu.vector_store_idx %arg10[%add3A_486], %gather3A_483 : memref<16384xf32, #tpu.memory_space<vmem>>[vector<16xi32>], vector<16xf32>,
        %add3A_487 = arith.constant 208 : i32
        %add3A_488 = vector.broadcast %add3A_487 : i32 to vector<16xi32>
        %add3A_489 = arith.addi %iota3A_321, %add3A_488 : vector<16xi32>
        %gather3A_490 = tpu.vector_load_idx %arg8[%add3A_489, %and3A_384] : memref<512x32xf32, #tpu.memory_space<vmem>>[vector<16xi32>, vector<16xi32>], vector<16xf32>,
        %add3A_491 = arith.constant 1104 : i32
        %add3A_492 = vector.broadcast %add3A_491 : i32 to vector<16xi32>
        %add3A_493 = arith.addi %add3A_396, %add3A_492 : vector<16xi32>
        tpu.vector_store_idx %arg10[%add3A_493], %gather3A_490 : memref<16384xf32, #tpu.memory_space<vmem>>[vector<16xi32>], vector<16xf32>,
        %add3A_494 = arith.constant 224 : i32
        %add3A_495 = vector.broadcast %add3A_494 : i32 to vector<16xi32>
        %add3A_496 = arith.addi %iota3A_321, %add3A_495 : vector<16xi32>
        %gather3A_497 = tpu.vector_load_idx %arg8[%add3A_496, %and3A_384] : memref<512x32xf32, #tpu.memory_space<vmem>>[vector<16xi32>, vector<16xi32>], vector<16xf32>,
        %add3A_498 = arith.constant 1120 : i32
        %add3A_499 = vector.broadcast %add3A_498 : i32 to vector<16xi32>
        %add3A_500 = arith.addi %add3A_396, %add3A_499 : vector<16xi32>
        tpu.vector_store_idx %arg10[%add3A_500], %gather3A_497 : memref<16384xf32, #tpu.memory_space<vmem>>[vector<16xi32>], vector<16xf32>,
        %add3A_501 = arith.constant 240 : i32
        %add3A_502 = vector.broadcast %add3A_501 : i32 to vector<16xi32>
        %add3A_503 = arith.addi %iota3A_321, %add3A_502 : vector<16xi32>
        %gather3A_504 = tpu.vector_load_idx %arg8[%add3A_503, %and3A_384] : memref<512x32xf32, #tpu.memory_space<vmem>>[vector<16xi32>, vector<16xi32>], vector<16xf32>,
        %add3A_505 = arith.constant 1136 : i32
        %add3A_506 = vector.broadcast %add3A_505 : i32 to vector<16xi32>
        %add3A_507 = arith.addi %add3A_396, %add3A_506 : vector<16xi32>
        tpu.vector_store_idx %arg10[%add3A_507], %gather3A_504 : memref<16384xf32, #tpu.memory_space<vmem>>[vector<16xi32>], vector<16xf32>,
        %add3A_508 = arith.constant 256 : i32
        %add3A_509 = vector.broadcast %add3A_508 : i32 to vector<16xi32>
        %add3A_510 = arith.addi %iota3A_321, %add3A_509 : vector<16xi32>
        %gather3A_511 = tpu.vector_load_idx %arg8[%add3A_510, %and3A_384] : memref<512x32xf32, #tpu.memory_space<vmem>>[vector<16xi32>, vector<16xi32>], vector<16xf32>,
        %add3A_512 = arith.constant 2048 : i32
        %add3A_513 = vector.broadcast %add3A_512 : i32 to vector<16xi32>
        %add3A_514 = arith.addi %add3A_396, %add3A_513 : vector<16xi32>
        tpu.vector_store_idx %arg10[%add3A_514], %gather3A_511 : memref<16384xf32, #tpu.memory_space<vmem>>[vector<16xi32>], vector<16xf32>,
        %add3A_515 = arith.constant 272 : i32
        %add3A_516 = vector.broadcast %add3A_515 : i32 to vector<16xi32>
        %add3A_517 = arith.addi %iota3A_321, %add3A_516 : vector<16xi32>
        %gather3A_518 = tpu.vector_load_idx %arg8[%add3A_517, %and3A_384] : memref<512x32xf32, #tpu.memory_space<vmem>>[vector<16xi32>, vector<16xi32>], vector<16xf32>,
        %add3A_519 = arith.constant 2064 : i32
        %add3A_520 = vector.broadcast %add3A_519 : i32 to vector<16xi32>
        %add3A_521 = arith.addi %add3A_396, %add3A_520 : vector<16xi32>
        tpu.vector_store_idx %arg10[%add3A_521], %gather3A_518 : memref<16384xf32, #tpu.memory_space<vmem>>[vector<16xi32>], vector<16xf32>,
        %add3A_522 = arith.constant 288 : i32
        %add3A_523 = vector.broadcast %add3A_522 : i32 to vector<16xi32>
        %add3A_524 = arith.addi %iota3A_321, %add3A_523 : vector<16xi32>
        %gather3A_525 = tpu.vector_load_idx %arg8[%add3A_524, %and3A_384] : memref<512x32xf32, #tpu.memory_space<vmem>>[vector<16xi32>, vector<16xi32>], vector<16xf32>,
        %add3A_526 = arith.constant 2080 : i32
        %add3A_527 = vector.broadcast %add3A_526 : i32 to vector<16xi32>
        %add3A_528 = arith.addi %add3A_396, %add3A_527 : vector<16xi32>
        tpu.vector_store_idx %arg10[%add3A_528], %gather3A_525 : memref<16384xf32, #tpu.memory_space<vmem>>[vector<16xi32>], vector<16xf32>,
        %add3A_529 = arith.constant 304 : i32
        %add3A_530 = vector.broadcast %add3A_529 : i32 to vector<16xi32>
        %add3A_531 = arith.addi %iota3A_321, %add3A_530 : vector<16xi32>
        %gather3A_532 = tpu.vector_load_idx %arg8[%add3A_531, %and3A_384] : memref<512x32xf32, #tpu.memory_space<vmem>>[vector<16xi32>, vector<16xi32>], vector<16xf32>,
        %add3A_533 = arith.constant 2096 : i32
        %add3A_534 = vector.broadcast %add3A_533 : i32 to vector<16xi32>
        %add3A_535 = arith.addi %add3A_396, %add3A_534 : vector<16xi32>
        tpu.vector_store_idx %arg10[%add3A_535], %gather3A_532 : memref<16384xf32, #tpu.memory_space<vmem>>[vector<16xi32>], vector<16xf32>,
        %add3A_536 = arith.constant 320 : i32
        %add3A_537 = vector.broadcast %add3A_536 : i32 to vector<16xi32>
        %add3A_538 = arith.addi %iota3A_321, %add3A_537 : vector<16xi32>
        %gather3A_539 = tpu.vector_load_idx %arg8[%add3A_538, %and3A_384] : memref<512x32xf32, #tpu.memory_space<vmem>>[vector<16xi32>, vector<16xi32>], vector<16xf32>,
        %add3A_540 = arith.constant 2112 : i32
        %add3A_541 = vector.broadcast %add3A_540 : i32 to vector<16xi32>
        %add3A_542 = arith.addi %add3A_396, %add3A_541 : vector<16xi32>
        tpu.vector_store_idx %arg10[%add3A_542], %gather3A_539 : memref<16384xf32, #tpu.memory_space<vmem>>[vector<16xi32>], vector<16xf32>,
        %add3A_543 = arith.constant 336 : i32
        %add3A_544 = vector.broadcast %add3A_543 : i32 to vector<16xi32>
        %add3A_545 = arith.addi %iota3A_321, %add3A_544 : vector<16xi32>
        %gather3A_546 = tpu.vector_load_idx %arg8[%add3A_545, %and3A_384] : memref<512x32xf32, #tpu.memory_space<vmem>>[vector<16xi32>, vector<16xi32>], vector<16xf32>,
        %add3A_547 = arith.constant 2128 : i32
        %add3A_548 = vector.broadcast %add3A_547 : i32 to vector<16xi32>
        %add3A_549 = arith.addi %add3A_396, %add3A_548 : vector<16xi32>
        tpu.vector_store_idx %arg10[%add3A_549], %gather3A_546 : memref<16384xf32, #tpu.memory_space<vmem>>[vector<16xi32>], vector<16xf32>,
        %add3A_550 = arith.constant 352 : i32
        %add3A_551 = vector.broadcast %add3A_550 : i32 to vector<16xi32>
        %add3A_552 = arith.addi %iota3A_321, %add3A_551 : vector<16xi32>
        %gather3A_553 = tpu.vector_load_idx %arg8[%add3A_552, %and3A_384] : memref<512x32xf32, #tpu.memory_space<vmem>>[vector<16xi32>, vector<16xi32>], vector<16xf32>,
        %add3A_554 = arith.constant 2144 : i32
        %add3A_555 = vector.broadcast %add3A_554 : i32 to vector<16xi32>
        %add3A_556 = arith.addi %add3A_396, %add3A_555 : vector<16xi32>
        tpu.vector_store_idx %arg10[%add3A_556], %gather3A_553 : memref<16384xf32, #tpu.memory_space<vmem>>[vector<16xi32>], vector<16xf32>,
        %add3A_557 = arith.constant 368 : i32
        %add3A_558 = vector.broadcast %add3A_557 : i32 to vector<16xi32>
        %add3A_559 = arith.addi %iota3A_321, %add3A_558 : vector<16xi32>
        %gather3A_560 = tpu.vector_load_idx %arg8[%add3A_559, %and3A_384] : memref<512x32xf32, #tpu.memory_space<vmem>>[vector<16xi32>, vector<16xi32>], vector<16xf32>,
        %add3A_561 = arith.constant 2160 : i32
        %add3A_562 = vector.broadcast %add3A_561 : i32 to vector<16xi32>
        %add3A_563 = arith.addi %add3A_396, %add3A_562 : vector<16xi32>
        tpu.vector_store_idx %arg10[%add3A_563], %gather3A_560 : memref<16384xf32, #tpu.memory_space<vmem>>[vector<16xi32>], vector<16xf32>,
        %add3A_564 = arith.constant 384 : i32
        %add3A_565 = vector.broadcast %add3A_564 : i32 to vector<16xi32>
        %add3A_566 = arith.addi %iota3A_321, %add3A_565 : vector<16xi32>
        %gather3A_567 = tpu.vector_load_idx %arg8[%add3A_566, %and3A_384] : memref<512x32xf32, #tpu.memory_space<vmem>>[vector<16xi32>, vector<16xi32>], vector<16xf32>,
        %add3A_568 = arith.constant 3072 : i32
        %add3A_569 = vector.broadcast %add3A_568 : i32 to vector<16xi32>
        %add3A_570 = arith.addi %add3A_396, %add3A_569 : vector<16xi32>
        tpu.vector_store_idx %arg10[%add3A_570], %gather3A_567 : memref<16384xf32, #tpu.memory_space<vmem>>[vector<16xi32>], vector<16xf32>,
        %add3A_571 = arith.constant 400 : i32
        %add3A_572 = vector.broadcast %add3A_571 : i32 to vector<16xi32>
        %add3A_573 = arith.addi %iota3A_321, %add3A_572 : vector<16xi32>
        %gather3A_574 = tpu.vector_load_idx %arg8[%add3A_573, %and3A_384] : memref<512x32xf32, #tpu.memory_space<vmem>>[vector<16xi32>, vector<16xi32>], vector<16xf32>,
        %add3A_575 = arith.constant 3088 : i32
        %add3A_576 = vector.broadcast %add3A_575 : i32 to vector<16xi32>
        %add3A_577 = arith.addi %add3A_396, %add3A_576 : vector<16xi32>
        tpu.vector_store_idx %arg10[%add3A_577], %gather3A_574 : memref<16384xf32, #tpu.memory_space<vmem>>[vector<16xi32>], vector<16xf32>,
        %add3A_578 = arith.constant 416 : i32
        %add3A_579 = vector.broadcast %add3A_578 : i32 to vector<16xi32>
        %add3A_580 = arith.addi %iota3A_321, %add3A_579 : vector<16xi32>
        %gather3A_581 = tpu.vector_load_idx %arg8[%add3A_580, %and3A_384] : memref<512x32xf32, #tpu.memory_space<vmem>>[vector<16xi32>, vector<16xi32>], vector<16xf32>,
        %add3A_582 = arith.constant 3104 : i32
        %add3A_583 = vector.broadcast %add3A_582 : i32 to vector<16xi32>
        %add3A_584 = arith.addi %add3A_396, %add3A_583 : vector<16xi32>
        tpu.vector_store_idx %arg10[%add3A_584], %gather3A_581 : memref<16384xf32, #tpu.memory_space<vmem>>[vector<16xi32>], vector<16xf32>,
        %add3A_585 = arith.constant 432 : i32
        %add3A_586 = vector.broadcast %add3A_585 : i32 to vector<16xi32>
        %add3A_587 = arith.addi %iota3A_321, %add3A_586 : vector<16xi32>
        %gather3A_588 = tpu.vector_load_idx %arg8[%add3A_587, %and3A_384] : memref<512x32xf32, #tpu.memory_space<vmem>>[vector<16xi32>, vector<16xi32>], vector<16xf32>,
        %add3A_589 = arith.constant 3120 : i32
        %add3A_590 = vector.broadcast %add3A_589 : i32 to vector<16xi32>
        %add3A_591 = arith.addi %add3A_396, %add3A_590 : vector<16xi32>
        tpu.vector_store_idx %arg10[%add3A_591], %gather3A_588 : memref<16384xf32, #tpu.memory_space<vmem>>[vector<16xi32>], vector<16xf32>,
        %add3A_592 = arith.constant 448 : i32
        %add3A_593 = vector.broadcast %add3A_592 : i32 to vector<16xi32>
        %add3A_594 = arith.addi %iota3A_321, %add3A_593 : vector<16xi32>
        %gather3A_595 = tpu.vector_load_idx %arg8[%add3A_594, %and3A_384] : memref<512x32xf32, #tpu.memory_space<vmem>>[vector<16xi32>, vector<16xi32>], vector<16xf32>,
        %add3A_596 = arith.constant 3136 : i32
        %add3A_597 = vector.broadcast %add3A_596 : i32 to vector<16xi32>
        %add3A_598 = arith.addi %add3A_396, %add3A_597 : vector<16xi32>
        tpu.vector_store_idx %arg10[%add3A_598], %gather3A_595 : memref<16384xf32, #tpu.memory_space<vmem>>[vector<16xi32>], vector<16xf32>,
        %add3A_599 = arith.constant 464 : i32
        %add3A_600 = vector.broadcast %add3A_599 : i32 to vector<16xi32>
        %add3A_601 = arith.addi %iota3A_321, %add3A_600 : vector<16xi32>
        %gather3A_602 = tpu.vector_load_idx %arg8[%add3A_601, %and3A_384] : memref<512x32xf32, #tpu.memory_space<vmem>>[vector<16xi32>, vector<16xi32>], vector<16xf32>,
        %add3A_603 = arith.constant 3152 : i32
        %add3A_604 = vector.broadcast %add3A_603 : i32 to vector<16xi32>
        %add3A_605 = arith.addi %add3A_396, %add3A_604 : vector<16xi32>
        tpu.vector_store_idx %arg10[%add3A_605], %gather3A_602 : memref<16384xf32, #tpu.memory_space<vmem>>[vector<16xi32>], vector<16xf32>,
        %add3A_606 = arith.constant 480 : i32
        %add3A_607 = vector.broadcast %add3A_606 : i32 to vector<16xi32>
        %add3A_608 = arith.addi %iota3A_321, %add3A_607 : vector<16xi32>
        %gather3A_609 = tpu.vector_load_idx %arg8[%add3A_608, %and3A_384] : memref<512x32xf32, #tpu.memory_space<vmem>>[vector<16xi32>, vector<16xi32>], vector<16xf32>,
        %add3A_610 = arith.constant 3168 : i32
        %add3A_611 = vector.broadcast %add3A_610 : i32 to vector<16xi32>
        %add3A_612 = arith.addi %add3A_396, %add3A_611 : vector<16xi32>
        tpu.vector_store_idx %arg10[%add3A_612], %gather3A_609 : memref<16384xf32, #tpu.memory_space<vmem>>[vector<16xi32>], vector<16xf32>,
        %add3A_613 = arith.constant 496 : i32
        %add3A_614 = vector.broadcast %add3A_613 : i32 to vector<16xi32>
        %add3A_615 = arith.addi %iota3A_321, %add3A_614 : vector<16xi32>
        %gather3A_616 = tpu.vector_load_idx %arg8[%add3A_615, %and3A_384] : memref<512x32xf32, #tpu.memory_space<vmem>>[vector<16xi32>, vector<16xi32>], vector<16xf32>,
        %add3A_617 = arith.constant 3184 : i32
        %add3A_618 = vector.broadcast %add3A_617 : i32 to vector<16xi32>
        %add3A_619 = arith.addi %add3A_396, %add3A_618 : vector<16xi32>
        tpu.vector_store_idx %arg10[%add3A_619], %gather3A_616 : memref<16384xf32, #tpu.memory_space<vmem>>[vector<16xi32>], vector<16xf32>,
      }
      %scan3A_327 = arith.constant 32 : i32
      %mul3A_328 = arith.constant 524288 : i32
      %mul3A_329 = arith.muli %add3A_257, %mul3A_328 : i32
      %add3A_330 = arith.constant 0 : i32
      %add3A_331 = arith.addi %mul3A_329, %add3A_330 : i32
      %mul3A_332 = arith.constant 4096 : i32
      %mul3A_333 = arith.muli %add3A, %mul3A_332 : i32
      %add3A_334 = arith.addi %add3A_331, %mul3A_333 : i32
      %dma_start3A_335 = arith.constant 0 : i32
      %dma_start3A_336 = tpu.memref_slice %arg10[%dma_start3A_335] : memref<16384xf32, #tpu.memory_space<vmem>> -> memref<4096xf32, #tpu.memory_space<vmem>>
      %dma_start3A_337 = tpu.memref_slice %arg4[%add3A_334] : memref<104857600xf32, #tpu.memory_space<hbm>> -> memref<4096xf32, #tpu.memory_space<hbm>>
      %dma_start3A_338 = tpu.memref_slice %arg4[%add3A_334] : memref<104857600xf32, #tpu.memory_space<hbm>> -> memref<4096xf32, #tpu.memory_space<hbm>>
      %dma_start3A_339 = arith.constant 0 : i32
      %dma_start3A_340 = tpu.memref_slice %arg10[%dma_start3A_339] : memref<16384xf32, #tpu.memory_space<vmem>> -> memref<4096xf32, #tpu.memory_space<vmem>>
      tpu.enqueue_dma source(%dma_start3A_340 : memref<4096xf32, #tpu.memory_space<vmem>>) target(%dma_start3A_338 : memref<4096xf32, #tpu.memory_space<hbm>>) target_semaphore(%arg16 : memref<!tpu.dma_semaphore, #tpu.memory_space<semaphore_mem>>)
      %mul3A_341 = arith.constant 524288 : i32
      %mul3A_342 = arith.muli %add3A_257, %mul3A_341 : i32
      %add3A_343 = arith.constant 131072 : i32
      %add3A_344 = arith.addi %mul3A_342, %add3A_343 : i32
      %mul3A_345 = arith.constant 4096 : i32
      %mul3A_346 = arith.muli %add3A, %mul3A_345 : i32
      %add3A_347 = arith.addi %add3A_344, %mul3A_346 : i32
      %dma_start3A_348 = arith.constant 4096 : i32
      %dma_start3A_349 = tpu.memref_slice %arg10[%dma_start3A_348] : memref<16384xf32, #tpu.memory_space<vmem>> -> memref<4096xf32, #tpu.memory_space<vmem>>
      %dma_start3A_350 = tpu.memref_slice %arg4[%add3A_347] : memref<104857600xf32, #tpu.memory_space<hbm>> -> memref<4096xf32, #tpu.memory_space<hbm>>
      %dma_start3A_351 = tpu.memref_slice %arg4[%add3A_347] : memref<104857600xf32, #tpu.memory_space<hbm>> -> memref<4096xf32, #tpu.memory_space<hbm>>
      %dma_start3A_352 = arith.constant 4096 : i32
      %dma_start3A_353 = tpu.memref_slice %arg10[%dma_start3A_352] : memref<16384xf32, #tpu.memory_space<vmem>> -> memref<4096xf32, #tpu.memory_space<vmem>>
      tpu.enqueue_dma source(%dma_start3A_353 : memref<4096xf32, #tpu.memory_space<vmem>>) target(%dma_start3A_351 : memref<4096xf32, #tpu.memory_space<hbm>>) target_semaphore(%arg16 : memref<!tpu.dma_semaphore, #tpu.memory_space<semaphore_mem>>)
      %mul3A_354 = arith.constant 524288 : i32
      %mul3A_355 = arith.muli %add3A_257, %mul3A_354 : i32
      %add3A_356 = arith.constant 262144 : i32
      %add3A_357 = arith.addi %mul3A_355, %add3A_356 : i32
      %mul3A_358 = arith.constant 4096 : i32
      %mul3A_359 = arith.muli %add3A, %mul3A_358 : i32
      %add3A_360 = arith.addi %add3A_357, %mul3A_359 : i32
      %dma_start3A_361 = arith.constant 8192 : i32
      %dma_start3A_362 = tpu.memref_slice %arg10[%dma_start3A_361] : memref<16384xf32, #tpu.memory_space<vmem>> -> memref<4096xf32, #tpu.memory_space<vmem>>
      %dma_start3A_363 = tpu.memref_slice %arg4[%add3A_360] : memref<104857600xf32, #tpu.memory_space<hbm>> -> memref<4096xf32, #tpu.memory_space<hbm>>
      %dma_start3A_364 = tpu.memref_slice %arg4[%add3A_360] : memref<104857600xf32, #tpu.memory_space<hbm>> -> memref<4096xf32, #tpu.memory_space<hbm>>
      %dma_start3A_365 = arith.constant 8192 : i32
      %dma_start3A_366 = tpu.memref_slice %arg10[%dma_start3A_365] : memref<16384xf32, #tpu.memory_space<vmem>> -> memref<4096xf32, #tpu.memory_space<vmem>>
      tpu.enqueue_dma source(%dma_start3A_366 : memref<4096xf32, #tpu.memory_space<vmem>>) target(%dma_start3A_364 : memref<4096xf32, #tpu.memory_space<hbm>>) target_semaphore(%arg16 : memref<!tpu.dma_semaphore, #tpu.memory_space<semaphore_mem>>)
      %mul3A_367 = arith.constant 524288 : i32
      %mul3A_368 = arith.muli %add3A_257, %mul3A_367 : i32
      %add3A_369 = arith.constant 393216 : i32
      %add3A_370 = arith.addi %mul3A_368, %add3A_369 : i32
      %mul3A_371 = arith.constant 4096 : i32
      %mul3A_372 = arith.muli %add3A, %mul3A_371 : i32
      %add3A_373 = arith.addi %add3A_370, %mul3A_372 : i32
      %dma_start3A_374 = arith.constant 12288 : i32
      %dma_start3A_375 = tpu.memref_slice %arg10[%dma_start3A_374] : memref<16384xf32, #tpu.memory_space<vmem>> -> memref<4096xf32, #tpu.memory_space<vmem>>
      %dma_start3A_376 = tpu.memref_slice %arg4[%add3A_373] : memref<104857600xf32, #tpu.memory_space<hbm>> -> memref<4096xf32, #tpu.memory_space<hbm>>
      %dma_start3A_377 = tpu.memref_slice %arg4[%add3A_373] : memref<104857600xf32, #tpu.memory_space<hbm>> -> memref<4096xf32, #tpu.memory_space<hbm>>
      %dma_start3A_378 = arith.constant 12288 : i32
      %dma_start3A_379 = tpu.memref_slice %arg10[%dma_start3A_378] : memref<16384xf32, #tpu.memory_space<vmem>> -> memref<4096xf32, #tpu.memory_space<vmem>>
      tpu.enqueue_dma source(%dma_start3A_379 : memref<4096xf32, #tpu.memory_space<vmem>>) target(%dma_start3A_377 : memref<4096xf32, #tpu.memory_space<hbm>>) target_semaphore(%arg16 : memref<!tpu.dma_semaphore, #tpu.memory_space<semaphore_mem>>)
    }
    %scan3A_69 = arith.constant 100 : i32
    %dma_wait3A_70 = arith.constant 0 : i32
    %dma_wait3A_71 = tpu.memref_slice %arg9[%dma_wait3A_70] : memref<16384xf32, #tpu.memory_space<vmem>> -> memref<4096xf32, #tpu.memory_space<vmem>>
    %dma_wait3A_72 = arith.constant 0 : i32
    %dma_wait3A_73 = tpu.memref_slice %arg4[%dma_wait3A_72] : memref<104857600xf32, #tpu.memory_space<hbm>> -> memref<4096xf32, #tpu.memory_space<hbm>>
    %dma_wait3A_74 = arith.constant 0 : i32
    %dma_wait3A_75 = tpu.memref_slice %arg4[%dma_wait3A_74] : memref<104857600xf32, #tpu.memory_space<hbm>> -> memref<4096xf32, #tpu.memory_space<hbm>>
    %dma_wait3A_76 = arith.constant 0 : i32
    %dma_wait3A_77 = tpu.memref_slice %arg9[%dma_wait3A_76] : memref<16384xf32, #tpu.memory_space<vmem>> -> memref<4096xf32, #tpu.memory_space<vmem>>
    tpu.wait_dma2 semaphore(%arg15 : memref<!tpu.dma_semaphore, #tpu.memory_space<semaphore_mem>>) src(%dma_wait3A_77 : memref<4096xf32, #tpu.memory_space<vmem>>) dst(%dma_wait3A_75 : memref<4096xf32, #tpu.memory_space<hbm>>)
    %dma_wait3A_78 = arith.constant 4096 : i32
    %dma_wait3A_79 = tpu.memref_slice %arg9[%dma_wait3A_78] : memref<16384xf32, #tpu.memory_space<vmem>> -> memref<4096xf32, #tpu.memory_space<vmem>>
    %dma_wait3A_80 = arith.constant 0 : i32
    %dma_wait3A_81 = tpu.memref_slice %arg4[%dma_wait3A_80] : memref<104857600xf32, #tpu.memory_space<hbm>> -> memref<4096xf32, #tpu.memory_space<hbm>>
    %dma_wait3A_82 = arith.constant 0 : i32
    %dma_wait3A_83 = tpu.memref_slice %arg4[%dma_wait3A_82] : memref<104857600xf32, #tpu.memory_space<hbm>> -> memref<4096xf32, #tpu.memory_space<hbm>>
    %dma_wait3A_84 = arith.constant 4096 : i32
    %dma_wait3A_85 = tpu.memref_slice %arg9[%dma_wait3A_84] : memref<16384xf32, #tpu.memory_space<vmem>> -> memref<4096xf32, #tpu.memory_space<vmem>>
    tpu.wait_dma2 semaphore(%arg15 : memref<!tpu.dma_semaphore, #tpu.memory_space<semaphore_mem>>) src(%dma_wait3A_85 : memref<4096xf32, #tpu.memory_space<vmem>>) dst(%dma_wait3A_83 : memref<4096xf32, #tpu.memory_space<hbm>>)
    %dma_wait3A_86 = arith.constant 8192 : i32
    %dma_wait3A_87 = tpu.memref_slice %arg9[%dma_wait3A_86] : memref<16384xf32, #tpu.memory_space<vmem>> -> memref<4096xf32, #tpu.memory_space<vmem>>
    %dma_wait3A_88 = arith.constant 0 : i32
    %dma_wait3A_89 = tpu.memref_slice %arg4[%dma_wait3A_88] : memref<104857600xf32, #tpu.memory_space<hbm>> -> memref<4096xf32, #tpu.memory_space<hbm>>
    %dma_wait3A_90 = arith.constant 0 : i32
    %dma_wait3A_91 = tpu.memref_slice %arg4[%dma_wait3A_90] : memref<104857600xf32, #tpu.memory_space<hbm>> -> memref<4096xf32, #tpu.memory_space<hbm>>
    %dma_wait3A_92 = arith.constant 8192 : i32
    %dma_wait3A_93 = tpu.memref_slice %arg9[%dma_wait3A_92] : memref<16384xf32, #tpu.memory_space<vmem>> -> memref<4096xf32, #tpu.memory_space<vmem>>
    tpu.wait_dma2 semaphore(%arg15 : memref<!tpu.dma_semaphore, #tpu.memory_space<semaphore_mem>>) src(%dma_wait3A_93 : memref<4096xf32, #tpu.memory_space<vmem>>) dst(%dma_wait3A_91 : memref<4096xf32, #tpu.memory_space<hbm>>)
    %dma_wait3A_94 = arith.constant 12288 : i32
    %dma_wait3A_95 = tpu.memref_slice %arg9[%dma_wait3A_94] : memref<16384xf32, #tpu.memory_space<vmem>> -> memref<4096xf32, #tpu.memory_space<vmem>>
    %dma_wait3A_96 = arith.constant 0 : i32
    %dma_wait3A_97 = tpu.memref_slice %arg4[%dma_wait3A_96] : memref<104857600xf32, #tpu.memory_space<hbm>> -> memref<4096xf32, #tpu.memory_space<hbm>>
    %dma_wait3A_98 = arith.constant 0 : i32
    %dma_wait3A_99 = tpu.memref_slice %arg4[%dma_wait3A_98] : memref<104857600xf32, #tpu.memory_space<hbm>> -> memref<4096xf32, #tpu.memory_space<hbm>>
    %dma_wait3A_100 = arith.constant 12288 : i32
    %dma_wait3A_101 = tpu.memref_slice %arg9[%dma_wait3A_100] : memref<16384xf32, #tpu.memory_space<vmem>> -> memref<4096xf32, #tpu.memory_space<vmem>>
    tpu.wait_dma2 semaphore(%arg15 : memref<!tpu.dma_semaphore, #tpu.memory_space<semaphore_mem>>) src(%dma_wait3A_101 : memref<4096xf32, #tpu.memory_space<vmem>>) dst(%dma_wait3A_99 : memref<4096xf32, #tpu.memory_space<hbm>>)
    %dma_wait3A_102 = arith.constant 0 : i32
    %dma_wait3A_103 = tpu.memref_slice %arg10[%dma_wait3A_102] : memref<16384xf32, #tpu.memory_space<vmem>> -> memref<4096xf32, #tpu.memory_space<vmem>>
    %dma_wait3A_104 = arith.constant 0 : i32
    %dma_wait3A_105 = tpu.memref_slice %arg4[%dma_wait3A_104] : memref<104857600xf32, #tpu.memory_space<hbm>> -> memref<4096xf32, #tpu.memory_space<hbm>>
    %dma_wait3A_106 = arith.constant 0 : i32
    %dma_wait3A_107 = tpu.memref_slice %arg4[%dma_wait3A_106] : memref<104857600xf32, #tpu.memory_space<hbm>> -> memref<4096xf32, #tpu.memory_space<hbm>>
    %dma_wait3A_108 = arith.constant 0 : i32
    %dma_wait3A_109 = tpu.memref_slice %arg10[%dma_wait3A_108] : memref<16384xf32, #tpu.memory_space<vmem>> -> memref<4096xf32, #tpu.memory_space<vmem>>
    tpu.wait_dma2 semaphore(%arg16 : memref<!tpu.dma_semaphore, #tpu.memory_space<semaphore_mem>>) src(%dma_wait3A_109 : memref<4096xf32, #tpu.memory_space<vmem>>) dst(%dma_wait3A_107 : memref<4096xf32, #tpu.memory_space<hbm>>)
    %dma_wait3A_110 = arith.constant 4096 : i32
    %dma_wait3A_111 = tpu.memref_slice %arg10[%dma_wait3A_110] : memref<16384xf32, #tpu.memory_space<vmem>> -> memref<4096xf32, #tpu.memory_space<vmem>>
    %dma_wait3A_112 = arith.constant 0 : i32
    %dma_wait3A_113 = tpu.memref_slice %arg4[%dma_wait3A_112] : memref<104857600xf32, #tpu.memory_space<hbm>> -> memref<4096xf32, #tpu.memory_space<hbm>>
    %dma_wait3A_114 = arith.constant 0 : i32
    %dma_wait3A_115 = tpu.memref_slice %arg4[%dma_wait3A_114] : memref<104857600xf32, #tpu.memory_space<hbm>> -> memref<4096xf32, #tpu.memory_space<hbm>>
    %dma_wait3A_116 = arith.constant 4096 : i32
    %dma_wait3A_117 = tpu.memref_slice %arg10[%dma_wait3A_116] : memref<16384xf32, #tpu.memory_space<vmem>> -> memref<4096xf32, #tpu.memory_space<vmem>>
    tpu.wait_dma2 semaphore(%arg16 : memref<!tpu.dma_semaphore, #tpu.memory_space<semaphore_mem>>) src(%dma_wait3A_117 : memref<4096xf32, #tpu.memory_space<vmem>>) dst(%dma_wait3A_115 : memref<4096xf32, #tpu.memory_space<hbm>>)
    %dma_wait3A_118 = arith.constant 8192 : i32
    %dma_wait3A_119 = tpu.memref_slice %arg10[%dma_wait3A_118] : memref<16384xf32, #tpu.memory_space<vmem>> -> memref<4096xf32, #tpu.memory_space<vmem>>
    %dma_wait3A_120 = arith.constant 0 : i32
    %dma_wait3A_121 = tpu.memref_slice %arg4[%dma_wait3A_120] : memref<104857600xf32, #tpu.memory_space<hbm>> -> memref<4096xf32, #tpu.memory_space<hbm>>
    %dma_wait3A_122 = arith.constant 0 : i32
    %dma_wait3A_123 = tpu.memref_slice %arg4[%dma_wait3A_122] : memref<104857600xf32, #tpu.memory_space<hbm>> -> memref<4096xf32, #tpu.memory_space<hbm>>
    %dma_wait3A_124 = arith.constant 8192 : i32
    %dma_wait3A_125 = tpu.memref_slice %arg10[%dma_wait3A_124] : memref<16384xf32, #tpu.memory_space<vmem>> -> memref<4096xf32, #tpu.memory_space<vmem>>
    tpu.wait_dma2 semaphore(%arg16 : memref<!tpu.dma_semaphore, #tpu.memory_space<semaphore_mem>>) src(%dma_wait3A_125 : memref<4096xf32, #tpu.memory_space<vmem>>) dst(%dma_wait3A_123 : memref<4096xf32, #tpu.memory_space<hbm>>)
    %dma_wait3A_126 = arith.constant 12288 : i32
    %dma_wait3A_127 = tpu.memref_slice %arg10[%dma_wait3A_126] : memref<16384xf32, #tpu.memory_space<vmem>> -> memref<4096xf32, #tpu.memory_space<vmem>>
    %dma_wait3A_128 = arith.constant 0 : i32
    %dma_wait3A_129 = tpu.memref_slice %arg4[%dma_wait3A_128] : memref<104857600xf32, #tpu.memory_space<hbm>> -> memref<4096xf32, #tpu.memory_space<hbm>>
    %dma_wait3A_130 = arith.constant 0 : i32
    %dma_wait3A_131 = tpu.memref_slice %arg4[%dma_wait3A_130] : memref<104857600xf32, #tpu.memory_space<hbm>> -> memref<4096xf32, #tpu.memory_space<hbm>>
    %dma_wait3A_132 = arith.constant 12288 : i32
    %dma_wait3A_133 = tpu.memref_slice %arg10[%dma_wait3A_132] : memref<16384xf32, #tpu.memory_space<vmem>> -> memref<4096xf32, #tpu.memory_space<vmem>>
    tpu.wait_dma2 semaphore(%arg16 : memref<!tpu.dma_semaphore, #tpu.memory_space<semaphore_mem>>) src(%dma_wait3A_133 : memref<4096xf32, #tpu.memory_space<vmem>>) dst(%dma_wait3A_131 : memref<4096xf32, #tpu.memory_space<hbm>>)
    return
  }
}

</mosaic_0001>

<sc_bundles>
// kernel: _lookup.3.cloned.1.call-start
scs
__scs_entry_jumppad:
0x0: {  	(pc) =	sbr.rel $0x88, $3  }
0x1: {  	(tag) =	ssettag $0x0;
	lr =	simm.s32 $0x1  }
0x2: {  	[smem:$0x3F9F] =	sst lr;
	_ =	strace $0xD0000000  }
0x3: {  	_ = 	snop  }
0x4: {  	_ = 	snop  }
0x5: {  	_ = 	snop  }
0x6: {  	_ = 	snop  }
0x7: {  	_ = 	snop  }
__scs_overlays_trampoline_lowered:
0x8: {  	[smem:$0x3FAE] =	sst s0  }
0x9: {  	[smem:$0x3FAF] =	sst s1  }
0xa: {  	[smem:$0x3FB0] =	sst s2  }
0xb: {  	[smem:$0x3FB1] =	sst s3  }
0xc: {  	[smem:$0x3FB2] =	sst s4  }
0xd: {  	[smem:$0x3FB3] =	sst s5  }
0xe: {  	[smem:$0x3FB4] =	sst s6  }
0xf: {  	[smem:$0x3FB5] =	sst s7  }
0x10: {  	[smem:$0x3FB6] =	sst s8  }
0x11: {  	[smem:$0x3FB7] =	sst s9;
	s0 =	simm.s32 @!p0 $0x0  }
0x12: {  	s1 =	sld [smem:$0x3F9D];
	s0 =	simm.s32 @p0 $0x1  }
0x13: {  	[smem:$0x3FB8] =	sst s0;
	s0 =	simm.s32 @!p1 $0x0  }
0x14: {  	s2 =	sld [smem:$0x3F9C];
	s0 =	simm.s32 @p1 $0x1  }
0x15: {  	[smem:$0x3FB9] =	sst s0;
	s0 =	simm.s32 @!p2 $0x0  }
0x16: {  	s3 =	sld [smem:$0x3FDB];
	s0 =	simm.s32 @p2 $0x1  }
0x17: {  	s4 =	simm.s32 $0x1BF5;
	[smem:$0x3FBB] =	sst s0  }
0x18: {  	s0 =	sld [smem:$0x3F9E];
	_ =	swait.ge [sflag:s4], $0x0  }
0x19: {  	s7 =	sld [smem:$0x3F9F]  }
0x1a: {  	s8 =	sadd.s32 $0xFFFFE003, lr  }
0x1b: {  	s9 =	sadd.s32 $0xFFFFFEF7, lr;
	s5 =	simm.s32 $0xFFFFFFFF;
	p2 =	slt.u32 s8, $0xFFFFF086  }
0x1c: {  	p1 =	slt.u32 s9, $0xF7A;
	s5 =	simm.s32 @!p2 $0x0  }
0x1d: {  	s5 =	simm.s32 @p1 $0x1;
	p0 =	seq.s32 s7, s2  }
0x1e: {  	s7 =	smul.u32 @!p0 $0xF7A, s2;
	p2 =	seq.s32 @!p0 s5, $0x0  }
0x1f: {  	s9 =	smul.u32 $0xF7A, s1;
	s8 =	simm.s32 @!p0 $0x1BF5;
	p2 =	por !p2, p0  }
0x20: {  	[sflag:s8] =	ssyncset.s32 @!p0 $0xFFFFF086;
	s6 =	sadd.s32 @!p0 s3, s7;
	s7 =	simm.s32 @!p0 $0x108  }
0x21: {  	s3 =	sadd.s32 s3, s9;
	s6 =	sadd.s32 @!p0 $0x88, s6;
	s7 =	simm.s32 @p2 $0x1082  }
0x22: {  	[simem:s7], [sflag:s8] =	dma.local @!p0 [hbm:s6], $0xF7A  }
0x23: {  	s9 =	sor.u32 $0xD0000000, s2;
	s6 =	simm.s32 $0x108;
	_ =	swait.ge @!p0 [sflag:s8], $0x0  }
0x24: {  	s3 =	sadd.s32 $0x88, s3;
	s6 =	simm.s32 @!p1 $0x1082;
	[sflag:s4] =	ssyncset.s32 $0xFFFFF086  }
0x25: {  	[simem:s6], [sflag:s4] =	dma.local [hbm:s3], $0xF7A  }
0x26: {  	[smem:$0x3F9F] =	sst s1;
	(tag) =	ssettag s2;
	_ =	strace s9  }
0x27: {  	s1 =	sld [smem:$0x3FAF]  }
0x28: {  	s2 =	sld [smem:$0x3FB0]  }
0x29: {  	s4 =	sld [smem:$0x3FB2]  }
0x2a: {  	p0 =	seq.s32 s5, $0x0;
	s5 =	sld [smem:$0x3FB3]  }
0x2b: {  	s6 =	sld [smem:$0x3FB4]  }
0x2c: {  	s7 =	sld [smem:$0x3FB5]  }
0x2d: {  	s3 =	simm.s32 $0x108;
	s8 =	sld [smem:$0x3FB6]  }
0x2e: {  	s3 =	simm.s32 @!p0 $0x1082;
	s9 =	sld [smem:$0x3FB7]  }
0x2f: {  	lr =	sadd.s32 s0, s3;
	s0 =	sld [smem:$0x3FAE]  }
0x30: {  	s3 =	sld [smem:$0x3FB1]  }
0x31: {  	[smem:$0x3FBA] =	sst s10  }
0x32: {  	s10 =	sld [smem:$0x3FB8];
	_ =	sdelay $0x3  }
0x33: {  	p0 =	seq.s32 s10, $0x1;
	s10 =	sld [smem:$0x3FBA];
	_ =	sdelay $0x3  }
0x34: {  	[smem:$0x3FBA] =	sst s10  }
0x35: {  	s10 =	sld [smem:$0x3FB9];
	_ =	sdelay $0x3  }
0x36: {  	p1 =	seq.s32 s10, $0x1;
	s10 =	sld [smem:$0x3FBA];
	_ =	sdelay $0x3  }
0x37: {  	[smem:$0x3FBA] =	sst s10  }
0x38: {  	s10 =	sld [smem:$0x3FBB]  }
0x39: {  	_ = 	snop;
	(pc) =	sbr.ind lr, $3  }
0x3a: {  	_ = 	snop  }
0x3b: {  	_ = 	snop  }
0x3c: {  	p2 =	seq.s32 s10, $0x1;
	s10 =	sld [smem:$0x3FBA]  }
0x3d: {  	_ =	shalt  }
0x3e: {  	_ =	shalt  }
0x3f: {  	_ =	shalt  }
0x40: {  	_ =	shalt  }
0x41: {  	_ =	shalt  }
0x42: {  	_ =	shalt  }
0x43: {  	_ =	shalt  }
0x44: {  	_ =	shalt  }
0x45: {  	_ =	shalt  }
0x46: {  	_ =	shalt  }
0x47: {  	_ =	shalt  }
0x48: {  	_ =	shalt  }
0x49: {  	_ =	shalt  }
0x4a: {  	_ =	shalt  }
0x4b: {  	_ =	shalt  }
0x4c: {  	_ =	shalt  }
0x4d: {  	_ =	shalt  }
0x4e: {  	_ =	shalt  }
0x4f: {  	_ =	shalt  }
0x50: {  	_ =	shalt  }
0x51: {  	_ =	shalt  }
0x52: {  	_ =	shalt  }
0x53: {  	_ =	shalt  }
0x54: {  	_ =	shalt  }
0x55: {  	_ =	shalt  }
0x56: {  	_ =	shalt  }
0x57: {  	_ =	shalt  }
0x58: {  	_ =	shalt  }
0x59: {  	_ =	shalt  }
0x5a: {  	_ =	shalt  }
0x5b: {  	_ =	shalt  }
0x5c: {  	_ =	shalt  }
0x5d: {  	_ =	shalt  }
0x5e: {  	_ =	shalt  }
0x5f: {  	_ =	shalt  }
0x60: {  	_ =	shalt  }
0x61: {  	_ =	shalt  }
0x62: {  	_ =	shalt  }
0x63: {  	_ =	shalt  }
0x64: {  	_ =	shalt  }
0x65: {  	_ =	shalt  }
0x66: {  	_ =	shalt  }
0x67: {  	_ =	shalt  }
0x68: {  	_ =	shalt  }
0x69: {  	_ =	shalt  }
0x6a: {  	_ =	shalt  }
0x6b: {  	_ =	shalt  }
0x6c: {  	_ =	shalt  }
0x6d: {  	_ =	shalt  }
0x6e: {  	_ =	shalt  }
0x6f: {  	_ =	shalt  }
0x70: {  	_ =	shalt  }
0x71: {  	_ =	shalt  }
0x72: {  	_ =	shalt  }
0x73: {  	_ =	shalt  }
0x74: {  	_ =	shalt  }
0x75: {  	_ =	shalt  }
0x76: {  	_ =	shalt  }
0x77: {  	_ =	shalt  }
0x78: {  	_ =	shalt  }
0x79: {  	_ =	shalt  }
0x7a: {  	_ =	shalt  }
0x7b: {  	_ =	shalt  }
0x7c: {  	_ =	shalt  }
0x7d: {  	_ =	shalt  }
0x7e: {  	_ =	shalt  }
0x7f: {  	_ =	shalt  }
0x80: {  	_ =	shalt  }
0x81: {  	_ =	shalt  }
0x82: {  	_ =	shalt  }
0x83: {  	_ =	shalt  }
0x84: {  	_ =	shalt  }
0x85: {  	_ =	shalt  }
0x86: {  	_ =	shalt  }
0x87: {  	_ =	shalt  }
.Lfunc_end0:
.L_simem_size_0:
called_computation_lowered:
.L_overlay_start_0:
0x88: {  	s2 =	sld [smem:$0x3FD9]  }
0x89: {  	s3 =	sld [smem:$0x3FFE];
	_ =	sdelay $0x1  }
0x8a: {  	s1 =	srdreg.scid  }
0x8b: {  	s0 =	sand.u32 $0x1, s1  }
0x8c: {  	s17 =	sshll.u32 s0, $0xA;
	s2 =	sadd.s32 s3, s2  }
0x8d: {  	s2 =	sadd.s32 s2, s17  }
0x8e: {  	[smem:$0x3FC6] =	sst s2  }
0x8f: {  	_ = 	snop  }
0x90: {  	s2 =	sld [smem:$0x3FC9]  }
0x91: {  	s18 =	sld [smem:$0x3FD0];
	(tm) =	ssettm $0x1  }
0x92: {  	s4 =	sld [smem:$0x3FFB];
	_ =	sdelay $0x3  }
0x93: {  	_ =	strace s4  }
0x94: {  	s4 =	sld [smem:$0x3FFC];
	_ =	sdelay $0x3  }
0x95: {  	_ =	strace s4  }
0x96: {  	s4 =	sld [smem:$0x3FFD];
	_ =	sdelay $0x3  }
0x97: {  	_ =	strace s4  }
0x98: {  	_ =	strace $0x8FFFFFFF  }
0x99: {  	s19 =	sld [smem:$0x3FDB];
	_ =	sdelay $0x1  }
0x9a: {  	s5 =	simm.s32 $_scs_section_size  }
0x9b: {  	s6 =	simm.s32 $_size__tile_overlayer_lowered;
	s7 =	simm.s32 $_tile_overlayer_lowered  }
0x9c: {  	s22 =	simm.s32 $0x1BFF;
	s21 =	sshll.u32 s7, $0x1;
	s4 =	sadd.s32 s5, s19  }
0x9d: {  	s8 =	simm.s32 $0x0;
	s20 =	sshll.u32 s6, $0x1;
	s6 =	sadd.s32 s21, s4  }
0x9e: {  	[timem:s8], [sflag:s22] =	dma.local [hbm:s6], s20  }
0x9f: {  	_ =	swait.ge [sflag:s22], s20  }
0xa0: {  	s5 =	ssub.s32 $0x0, s20;
	[sflag:s22] =	ssyncset.done $0x0  }
0xa1: {  	[sflag:s22] =	ssyncadd.s32 s5;
	_ =	sdelay $0x1  }
0xa2: {  	s23 =	simm.s32 $0x1B8B  }
0xa3: {  	_ =	swait.ge [sflag:s23], $0x1  }
0xa4: {  	[sflag:s23] =	ssyncset.done $0x0  }
0xa5: {  	s25 =	simm.s32 $0x1B8E;
	s24 =	sld [smem:$0x3FFE];
	[sflag:s23] =	ssyncadd.s32 $0xFFFFFFFF  }
0xa6: {  	s26 =	simm.s32 $execute0_lowered;
	[smem:$0x3FD2] =	sst s25  }
0xa7: {  	s6 =	sshll.u32 s26, $0x1;
	_ =	strace $0x80000046;
	[dreg:$0x1] =	wrdreg $0xFFFFFFFF  }
0xa8: {  	s28 =	simm.s32 $_size_execute0_lowered;
	s4 =	sadd.s32 s4, s6;
	[dreg:$0x0] =	wrdreg $0x0  }
0xa9: {  	s6 =	sshll.u32 s28, $0x1;
	[dreg:$0x2] =	wrdreg s4  }
0xaa: {  	[dreg:$0x3] =	wrdreg s6  }
0xab: {  	[dreg:$0x4] =	wrdreg $0xC0  }
0xac: {  	_ =	task [dreg:s8], $0x5FFFF  }
0xad: {  	[dreg:$0x1] =	wrdreg $0xFFFFFFFF  }
0xae: {  	[dreg:$0x0] =	wrdreg $0x60  }
0xaf: {  	[dreg:$0x2] =	wrdreg s24  }
0xb0: {  	[dreg:$0x3] =	wrdreg s2  }
0xb1: {  	[dreg:$0x4] =	wrdreg s18  }
0xb2: {  	[dreg:$0x5] =	wrdreg $0x9  }
0xb3: {  	_ =	task.clear_ibuf [dreg:s8], $0x6FFFF;
	_ =	strace $0x90000046  }
0xb4: {  	s29 =	simm.s32 $0x9;
	_ =	strace $0x80000048  }
0xb5: {  	_ =	swait.ge [sflag:s29], $0x1  }
0xb6: {  	[sflag:s29] =	ssyncadd.s32 $0xFFFFFFFF  }
0xb7: {  	_ =	strace $0x90000048  }
0xb8: {  	_ =	sfence  }
0xb9: {  	s30 =	sld [smem:$0x0];
	_ =	sdelay $0x2  }
0xba: {  	s31 =	sshll.u32 s1, $0xD;
	s1 =	sshrl.u32 s1, $0x2  }
0xbb: {  	s3 =	sand.u32 $0x4000, s31;
	s1 =	sadd.s32 s1, s30  }
0xbc: {  	s0 =	sor.u32 s3, s0;
	s1 =	sshll.u32 s1, $0x11  }
0xbd: {  	s0 =	sor.u32 s1, s0  }
0xbe: {  	s0 =	sadd.s32 $0x8F2B, s0  }
0xbf: {  	[sflag:s0] =	ssyncadd.remote.s32 $0x1  }
0xc0: {  	_ =	sfence.sel $0xFFFF  }
0xc1: {  	[dreg:$0x0] =	wrdreg $0xFFFFFFFF;
	(pc) =	sbr.abs _section_cstart, $3  }
0xc2: {  	[dreg:$0x1] =	wrdreg $0xFFFFFFFF  }
0xc3: {  	_ =	task.clear_ibuf [dreg:s8], $0x2FFFF;
	_ =	strace $0x9FFFFFFF  }
0xc4: {  	(tm) =	ssettm $0x7FFFFFFF  }
0xc5: {  	_ =	shalt  }
tec
execute0_lowered:
.L_overlay_start_1:
0x0: {  	(tag) =	ssettag $0x1  }
0x1: {  	v4 =	vlaneseq.u32  }
0x2: {  	v1 =	vor.u32 $0x10, v4  }
0x3: {  	[tilespmem:$0x1FD90] =	vst v1;
	v1 =	vor.u32 $0x20, v4  }
0x4: {  	[tilespmem:$0x1FDA0] =	vst v1;
	v1 =	vor.u32 $0x30, v4  }
0x5: {  	s0 =	rddreg [dreg:$0x0];
	[tilespmem:$0x1FDB0] =	vst v1;
	v1 =	vor.u32 $0x40, v4  }
0x6: {  	s1 =	rddreg [dreg:$0x1];
	s4 =	simm.s32 $0x0;
	[tilespmem:$0x1FDC0] =	vst v1;
	v1 =	vor.u32 $0x50, v4  }
0x7: {  	v0 =	vmul.u32 $0x20, v4;
	[smem:$0x7FF] =	sst s4;
	[tilespmem:$0x1FDD0] =	vst v1;
	v1 =	vor.u32 $0x60, v4  }
0x8: {  	s8 =	rddreg [dreg:$0x2];
	v11 =	vor.u32 $0xC50, v4;
	v23 =	vor.u32 $0xC60, v4;
	_ =	strace $0x80000047;
	[tilespmem:$0x1FDE0] =	vst v1  }
0x9: {  	v5 =	vor.u32 $0x200, v0;
	v3 =	vor.u32 $0x400, v0;
	v6 =	vor.u32 $0x600, v0;
	[tilespmem:$0x1FF50] =	vst v0  }
0xa: {  	v2 =	vor.u32 $0x800, v0;
	v7 =	vor.u32 $0xA00, v0;
	v17 =	vor.u32 $0x3C00, v0;
	[tilespmem:$0x1FF70] =	vst v11  }
0xb: {  	v19 =	vor.u32 $0xC00, v0;
	v20 =	vor.u32 $0xE00, v0;
	v22 =	vor.u32 $0x1000, v0;
	[tilespmem:$0x1FF80] =	vst v17  }
0xc: {  	v24 =	vor.u32 $0x1200, v0;
	v26 =	vor.u32 $0x1400, v0;
	v13 =	vor.u32 $0x3E00, v0;
	[tilespmem:$0x1FF90] =	vst v23  }
0xd: {  	v29 =	vor.u32 $0x1600, v0;
	v30 =	vor.u32 $0x1800, v0;
	v41 =	vor.u32 $0x1A00, v0;
	[tilespmem:$0x1FFA0] =	vst v13  }
0xe: {  	v39 =	vor.u32 $0x1C00, v0;
	v47 =	vor.u32 $0x1E00, v0;
	v60 =	vor.u32 $0x3600, v0;
	[tilespmem:$0x1FFB0] =	vst v6  }
0xf: {  	v51 =	vor.u32 $0x2000, v0;
	v43 =	vor.u32 $0x2200, v0;
	v44 =	vor.u32 $0x2600, v0;
	[tilespmem:$0x1FFC0] =	vst v60  }
0x10: {  	v45 =	vor.u32 $0x2400, v0;
	v57 =	vor.u32 $0x2800, v0;
	v58 =	vor.u32 $0x3400, v0;
	[tilespmem:$0x1FFD0] =	vst v44  }
0x11: {  	v49 =	vor.u32 $0x2A00, v0;
	v53 =	vor.u32 $0x2C00, v0;
	v55 =	vor.u32 $0x2E00, v0;
	[tilespmem:$0x1FFE0] =	vst v58  }
0x12: {  	v59 =	vor.u32 $0x3000, v0;
	v61 =	vor.u32 $0x3200, v0;
	v1 =	vor.u32 $0x70, v4;
	[tilespmem:$0x1FFF0] =	vst v3  }
0x13: {  	v63 =	vor.u32 $0x3800, v0;
	v33 =	vor.u32 $0x3A00, v0;
	v0 =	vor.u32 $0xC70, v4;
	[tilespmem:$0x1FDF0] =	vst v1  }
0x14: {  	v1 =	vor.u32 $0x400, v4;
	[tilespmem:$0x1FF60] =	vst v0  }
0x15: {  	[tilespmem:$0x1FE00] =	vst v1;
	v1 =	vor.u32 $0x410, v4  }
0x16: {  	[tilespmem:$0x1FE10] =	vst v1;
	v1 =	vor.u32 $0x420, v4  }
0x17: {  	[tilespmem:$0x1FE20] =	vst v1;
	v1 =	vor.u32 $0x430, v4  }
0x18: {  	[tilespmem:$0x1FE30] =	vst v1;
	v1 =	vor.u32 $0x440, v4  }
0x19: {  	[tilespmem:$0x1FE40] =	vst v1;
	v1 =	vor.u32 $0x450, v4  }
0x1a: {  	[tilespmem:$0x1FE50] =	vst v1;
	v1 =	vor.u32 $0x460, v4  }
0x1b: {  	[tilespmem:$0x1FE60] =	vst v1;
	v1 =	vor.u32 $0x470, v4  }
0x1c: {  	[tilespmem:$0x1FE70] =	vst v1;
	v1 =	vor.u32 $0x800, v4  }
0x1d: {  	s2 =	srdreg.scid;
	s3 =	stileid.u32;
	[tilespmem:$0x1FE80] =	vst v1;
	v1 =	vor.u32 $0x810, v4  }
0x1e: {  	s20 =	simm.s32 $0x80;
	s21 =	simm.s32 $0x400;
	s28 =	simm.s32 $0x200;
	[tilespmem:$0x1FE90] =	vst v1;
	v1 =	vor.u32 $0x820, v4  }
0x1f: {  	s29 =	simm.s32 $0x3;
	s30 =	simm.s32 $0x2;
	s31 =	simm.s32 $0x4400;
	[tilespmem:$0x1FEA0] =	vst v1;
	v1 =	vor.u32 $0x830, v4  }
0x20: {  	s19 =	simm.s32 $0x4;
	s23 =	simm.s32 $0x5;
	s24 =	simm.s32 $0x6;
	[tilespmem:$0x1FEB0] =	vst v1;
	v1 =	vor.u32 $0x840, v4  }
0x21: {  	s2 =	sand.u32 $0x1, s2;
	s3 =	sshll.u32 s3, $0x1;
	s5 =	sadd.s32 $0xF42800, s0;
	[tilespmem:$0x1FEC0] =	vst v1;
	v1 =	vor.u32 $0x850, v4  }
0x22: {  	s11 =	sadd.s32 $0x4000, s8;
	s12 =	sadd.s32 $0x8000, s8;
	s13 =	sadd.s32 $0xC000, s8;
	[tilespmem:$0x1FED0] =	vst v1;
	v1 =	vor.u32 $0x860, v4  }
0x23: {  	s14 =	sadd.s32 $0x10000, s8;
	s15 =	sadd.s32 $0x14000, s8;
	s16 =	sadd.s32 $0x18000, s8;
	[tilespmem:$0x1FEE0] =	vst v1;
	v1 =	vor.u32 $0x870, v4  }
0x24: {  	s17 =	sadd.s32 $0x1C000, s8;
	s3 =	sor.u32 s2, s3;
	s25 =	ssub.s32 $0x2, s2;
	[tilespmem:$0x1FEF0] =	vst v1;
	v1 =	vor.u32 $0xC00, v4  }
0x25: {  	s26 =	sshll.u32 s3, $0x6;
	s7 =	sshrl.u32 s25, $0x1;
	s6 =	sshll.u32 s3, $0x9;
	[tilespmem:$0x1FF00] =	vst v1;
	v1 =	vor.u32 $0xC10, v4  }
0x26: {  	s3 =	simm.s32 $0x0;
	s2 =	sadd.s32 s1, s26;
	s0 =	ssub.s32 s25, s7;
	[tilespmem:$0x1FF10] =	vst v1;
	v1 =	vor.u32 $0xC20, v4  }
0x27: {  	s9 =	sor.u32 $0x8000, s6;
	s0 =	smax.u32 s0, $0x1;
	[dreg:$0x4] =	wrdreg s2;
	[tilespmem:$0x1FF20] =	vst v1;
	v1 =	vor.u32 $0xC30, v4  }
0x28: {  	s10 =	sor.u32 $0xC000, s6;
	s2 =	sadd.s32 $0x800, s2;
	[dreg:$0x6] =	wrdreg s0;
	[tilespmem:$0x1FF30] =	vst v1;
	v1 =	vor.u32 $0xC40, v4  }
0x29: {  	s26 =	simm.s32 $0x8400;
	[dreg:$0x5] =	wrdreg s2;
	s2 =	simm.s32 $0xC400;
	[tilespmem:$0x1FF40] =	vst v1  }
.LBB2_1:
0x2a: {  	[dreg:$0x7] =	wrdreg s3  }
0x2b: {  	s0 =	rddreg [dreg:$0x4];
	s25 =	simm.s32 $0x1  }
0x2c: {  	[tilespmem:s4], [sflag:$0x1] =	stream.linear.gather [hbm4b:s0+s4], $0x200, $0x38;
	[tilespmem:$0x10400] =	vst v63  }
0x2d: {  	_ =	swait.ge [sflag:s25], $0x200  }
0x2e: {  	[sflag:s25] =	ssyncset.done $0x0  }
0x2f: {  	[sflag:s25] =	ssyncadd.s32 $0xFFFFFE00  }
0x30: {  	[tilespmem:s21], [sflag:$0x3] =	stream.indirect.gather [hbm4b:s5+s20], $0x20, s4, s20, $0xb8;
	[tilespmem:$0x10400] =	vst v63  }
0x31: {  	s3 =	simm.s32 $0x1400  }
0x32: {  	[tilespmem:s3], [sflag:$0x3] =	stream.indirect.gather [hbm4b:s5+s20], $0x20, s20, s20, $0xb8;
	[tilespmem:$0x10400] =	vst v63  }
0x33: {  	s7 =	simm.s32 $0x100;
	s8 =	simm.s32 $0x2400  }
0x34: {  	[tilespmem:s8], [sflag:$0x3] =	stream.indirect.gather [hbm4b:s5+s20], $0x20, s7, s20, $0xb8;
	[tilespmem:$0x10400] =	vst v63  }
0x35: {  	s18 =	simm.s32 $0x180;
	s22 =	simm.s32 $0x3400  }
0x36: {  	[tilespmem:s22], [sflag:$0x3] =	stream.indirect.gather [hbm4b:s5+s20], $0x20, s18, s20, $0xb8;
	[tilespmem:$0x10400] =	vst v63  }
0x37: {  	s25 =	rddreg [dreg:$0x5]  }
0x38: {  	[tilespmem:s28], [sflag:$0x2] =	stream.linear.gather [hbm4b:s25+s4], $0x200, $0x38;
	[tilespmem:$0x10400] =	vst v63  }
0x39: {  	s25 =	simm.s32 $0x0  }
.LBB2_2:
0x3a: {  	_ =	swait.ge [sflag:s29], $0x1000  }
0x3b: {  	[sflag:s29] =	ssyncset.done $0x0  }
0x3c: {  	[sflag:s29] =	ssyncadd.s32 $0xFFFFF000  }
0x3d: {  	_ =	swait.ge [sflag:s29], $0x1000  }
0x3e: {  	[sflag:s29] =	ssyncset.done $0x0  }
0x3f: {  	[sflag:s29] =	ssyncadd.s32 $0xFFFFF000  }
0x40: {  	_ =	swait.ge [sflag:s29], $0x1000  }
0x41: {  	[sflag:s29] =	ssyncset.done $0x0  }
0x42: {  	[sflag:s29] =	ssyncadd.s32 $0xFFFFF000  }
0x43: {  	_ =	swait.ge [sflag:s29], $0x1000  }
0x44: {  	[sflag:s29] =	ssyncset.done $0x0  }
0x45: {  	[sflag:s29] =	ssyncadd.s32 $0xFFFFF000  }
0x46: {  	_ =	swait.ge [sflag:s30], $0x200  }
0x47: {  	[sflag:s30] =	ssyncset.done $0x0  }
0x48: {  	[sflag:s30] =	ssyncadd.s32 $0xFFFFFE00  }
0x49: {  	[tilespmem:s31], [sflag:$0x4] =	stream.indirect.gather [hbm4b:s5+s20], $0x20, s28, s20, $0xb8;
	[tilespmem:$0x10400] =	vst v63  }
0x4a: {  	s0 =	simm.s32 $0x280;
	s3 =	simm.s32 $0x5400;
	p0 =	seq.s32 s25, $0x63  }
0x4b: {  	[tilespmem:s3], [sflag:$0x4] =	stream.indirect.gather [hbm4b:s5+s20], $0x20, s0, s20, $0xb8;
	[tilespmem:$0x10400] =	vst v63  }
0x4c: {  	s7 =	simm.s32 $0x300;
	s8 =	simm.s32 $0x6400;
	p1 =	seq.s32 @!p0 s25, $0x0  }
0x4d: {  	[tilespmem:s8], [sflag:$0x4] =	stream.indirect.gather [hbm4b:s5+s20], $0x20, s7, s20, $0xb8;
	[tilespmem:$0x10400] =	vst v63  }
0x4e: {  	s18 =	simm.s32 $0x380;
	s22 =	simm.s32 $0x7400;
	p1 =	por p0, !p1  }
0x4f: {  	[tilespmem:s22], [sflag:$0x4] =	stream.indirect.gather [hbm4b:s5+s20], $0x20, s18, s20, $0xb8;
	[tilespmem:$0x10400] =	vst v63  }
.Ltmp0:
0x50: {  	s18 =	sshll.u32 @!p0 s25, $0xF;
	(pc) =	sbr.rel @!p1 .LBB2_3-.Ltmp0, $4  }
0x51: {  	v62 =	vmov v63;
	v40 =	vmov v43;
	v52 =	vmov v55;
	s7 =	sadd.s32 @!p0 s9, s18  }
0x52: {  	v46 =	vmovc v57;
	v56 =	vmovc v61;
	v34 =	vmov v39;
	v38 =	vmov v51;
	v42 =	vmov v45;
	s7 =	sshrl.u32 @!p0 s7, $0x3  }
0x53: {  	v50 =	vmovc v53;
	v54 =	vmovc v59;
	v28 =	vmov v29;
	v48 =	vmov v49;
	v32 =	vmov v41;
	s8 =	simm.s32 @!p0 $0x0;
	s7 =	sadd.s32 @!p0 s1, s7  }
0x54: {  	v36 =	vmovc v47;
	v16 =	vmovc v7;
	v8 =	vmov v5;
	v10 =	vmov v3;
	v14 =	vmov v2;
	[tilespmem:s8], [sflag:$0x1] =	stream.linear.gather @!p0 [hbm4b:s7+s8], $0x200, $0x38;
	[tilespmem:$0x10400] =	vst v63  }
0x55: {  	_ =	swait.ge [sflag:s23], $0x1000  }
0x56: {  	[sflag:s23] =	ssyncset.done $0x0  }
0x57: {  	[sflag:s23] =	ssyncadd.s32 $0xFFFFF000  }
0x58: {  	_ =	swait.ge [sflag:s23], $0x1000  }
0x59: {  	[sflag:s23] =	ssyncset.done $0x0  }
0x5a: {  	[sflag:s23] =	ssyncadd.s32 $0xFFFFF000  }
0x5b: {  	_ =	swait.ge [sflag:s23], $0x1000  }
0x5c: {  	[sflag:s23] =	ssyncset.done $0x0  }
0x5d: {  	[sflag:s23] =	ssyncadd.s32 $0xFFFFF000  }
0x5e: {  	_ =	swait.ge [sflag:s23], $0x1000  }
0x5f: {  	v5 =	vld [tilespmem:$0x1FF50]  }
0x60: {  	v35 =	vld [tilespmem:$0x1FD90]  }
0x61: {  	v21 =	vld [tilespmem:$0x1FDA0]  }
0x62: {  	v9 =	vld [tilespmem:$0x1FDB0]  }
0x63: {  	v15 =	vld [tilespmem:$0x1FDC0]  }
0x64: {  	v47 =	vld [tilespmem:$0x1FDD0]  }
0x65: {  	v7 =	vld [tilespmem:$0x1FDE0]  }
0x66: {  	v25 =	vld [tilespmem:$0x1FDF0]  }
0x67: {  	v53 =	vld [tilespmem:$0x1FE00]  }
0x68: {  	v29 =	vld [tilespmem:$0x1FE10]  }
0x69: {  	v27 =	vld [tilespmem:$0x1FE20]  }
0x6a: {  	v59 =	vld [tilespmem:$0x1FE30]  }
0x6b: {  	v31 =	vld [tilespmem:$0x1FE40]  }
0x6c: {  	v41 =	vld [tilespmem:$0x1FE50]  }
0x6d: {  	v39 =	vld [tilespmem:$0x1FE60]  }
0x6e: {  	v49 =	vld [tilespmem:$0x1FE70]  }
0x6f: {  	v51 =	vld [tilespmem:$0x1FE80]  }
0x70: {  	v43 =	vld [tilespmem:$0x1FE90]  }
0x71: {  	v45 =	vld [tilespmem:$0x1FEA0]  }
.Ltmp1:
0x72: {  	v61 =	vld [tilespmem:$0x1FEB0];
	(pc) =	sbr.rel .LBB2_5-.Ltmp1, $4  }
0x73: {  	v57 =	vld [tilespmem:$0x1FEC0]  }
0x74: {  	v37 =	vld [tilespmem:$0x1FED0]  }
0x75: {  	[sflag:s23] =	ssyncset.done $0x0;
	v55 =	vld [tilespmem:$0x1FEE0]  }
0x76: {  	p1 =	por $0x0, $0x0;
	v63 =	vld [tilespmem:$0x1FEF0];
	[sflag:s23] =	ssyncadd.s32 $0xFFFFF000  }
.LBB2_3:
0x77: {  	v5 =	vld [tilespmem:$0x1FF50]  }
0x78: {  	v35 =	vld [tilespmem:$0x1FD90]  }
0x79: {  	v21 =	vld [tilespmem:$0x1FDA0]  }
0x7a: {  	v9 =	vld [tilespmem:$0x1FDB0]  }
0x7b: {  	v15 =	vld [tilespmem:$0x1FDC0]  }
0x7c: {  	v47 =	vld [tilespmem:$0x1FDD0]  }
0x7d: {  	v7 =	vld [tilespmem:$0x1FDE0]  }
0x7e: {  	v25 =	vld [tilespmem:$0x1FDF0]  }
0x7f: {  	v53 =	vld [tilespmem:$0x1FE00]  }
0x80: {  	v29 =	vld [tilespmem:$0x1FE10]  }
0x81: {  	v27 =	vld [tilespmem:$0x1FE20]  }
0x82: {  	v59 =	vld [tilespmem:$0x1FE30]  }
0x83: {  	v31 =	vld [tilespmem:$0x1FE40]  }
0x84: {  	v41 =	vld [tilespmem:$0x1FE50]  }
0x85: {  	v39 =	vld [tilespmem:$0x1FE60]  }
0x86: {  	v49 =	vld [tilespmem:$0x1FE70]  }
0x87: {  	v51 =	vld [tilespmem:$0x1FE80]  }
0x88: {  	v43 =	vld [tilespmem:$0x1FE90]  }
0x89: {  	v45 =	vld [tilespmem:$0x1FEA0]  }
0x8a: {  	v61 =	vld [tilespmem:$0x1FEB0]  }
0x8b: {  	v57 =	vld [tilespmem:$0x1FEC0]  }
0x8c: {  	v37 =	vld [tilespmem:$0x1FED0]  }
0x8d: {  	v55 =	vld [tilespmem:$0x1FEE0]  }
0x8e: {  	p1 =	por @!p0 $0x1, $0x1;
	v63 =	vld [tilespmem:$0x1FEF0]  }
.LBB2_5:
0x8f: {  	s7 =	simm.s32 $0x0  }
0x90: {  	v0 =	vadd.s32 s7, v4  }
0x91: {  	v1 =	vand.u32 $0x1F, v0  }
0x92: {  	v2 =	vor.u32 v5, v1;
	_ =	sdelay $0x1  }
0x93: {  	v3 =	vshll.u32 v0, $0x9;
	v0 =	vshll.u32 v0, $0x7  }
0x94: {  	v3 =	vand.u32 $0x3000, v3;
	v0 =	vand.u32 $0x380, v0  }
0x95: {  	v0 =	vor.u32 v0, v3  }
0x96: {  	v3 =	vor.u32 v4, v0;
	v12 =	vld.idx.msk [tilespmem:v2+s21+$0x0], $0xffff  }
0x97: {  	v2 =	vor.u32 v8, v1;
	_ =	sdelay $0x3  }
0x98: {  	[tilespmem:v3+s26+$0x0] =	vst.idx.msk $0xffff, v12  }
0x99: {  	v3 =	vor.u32 v35, v0;
	v12 =	vld.idx.msk [tilespmem:v2+s21+$0x0], $0xffff  }
0x9a: {  	v2 =	vor.u32 v10, v1;
	_ =	sdelay $0x3  }
0x9b: {  	[tilespmem:v3+s26+$0x0] =	vst.idx.msk $0xffff, v12  }
0x9c: {  	v3 =	vor.u32 v21, v0;
	v12 =	vld.idx.msk [tilespmem:v2+s21+$0x0], $0xffff  }
0x9d: {  	v2 =	vor.u32 v6, v1;
	_ =	sdelay $0x3  }
0x9e: {  	[tilespmem:v3+s26+$0x0] =	vst.idx.msk $0xffff, v12  }
0x9f: {  	v3 =	vor.u32 v9, v0;
	v12 =	vld.idx.msk [tilespmem:v2+s21+$0x0], $0xffff  }
0xa0: {  	v2 =	vor.u32 v14, v1;
	_ =	sdelay $0x3  }
0xa1: {  	[tilespmem:v3+s26+$0x0] =	vst.idx.msk $0xffff, v12  }
0xa2: {  	v3 =	vor.u32 v15, v0;
	v12 =	vld.idx.msk [tilespmem:v2+s21+$0x0], $0xffff  }
0xa3: {  	v2 =	vor.u32 v16, v1;
	_ =	sdelay $0x3  }
0xa4: {  	[tilespmem:v3+s26+$0x0] =	vst.idx.msk $0xffff, v12  }
0xa5: {  	v3 =	vor.u32 v47, v0;
	v12 =	vld.idx.msk [tilespmem:v2+s21+$0x0], $0xffff  }
0xa6: {  	v2 =	vor.u32 v19, v1;
	_ =	sdelay $0x3  }
0xa7: {  	[tilespmem:v3+s26+$0x0] =	vst.idx.msk $0xffff, v12  }
0xa8: {  	v3 =	vor.u32 v7, v0;
	v12 =	vld.idx.msk [tilespmem:v2+s21+$0x0], $0xffff  }
0xa9: {  	v2 =	vor.u32 v20, v1;
	_ =	sdelay $0x3  }
0xaa: {  	[tilespmem:v3+s26+$0x0] =	vst.idx.msk $0xffff, v12  }
0xab: {  	v3 =	vor.u32 v25, v0;
	v12 =	vld.idx.msk [tilespmem:v2+s21+$0x0], $0xffff  }
0xac: {  	v2 =	vor.u32 v22, v1;
	_ =	sdelay $0x3  }
0xad: {  	[tilespmem:v3+s26+$0x0] =	vst.idx.msk $0xffff, v12  }
0xae: {  	v3 =	vor.u32 v53, v0;
	v12 =	vld.idx.msk [tilespmem:v2+s21+$0x0], $0xffff  }
0xaf: {  	v2 =	vor.u32 v24, v1;
	_ =	sdelay $0x3  }
0xb0: {  	[tilespmem:v3+s26+$0x0] =	vst.idx.msk $0xffff, v12  }
0xb1: {  	v3 =	vor.u32 v29, v0;
	v12 =	vld.idx.msk [tilespmem:v2+s21+$0x0], $0xffff  }
0xb2: {  	v2 =	vor.u32 v26, v1;
	_ =	sdelay $0x3  }
0xb3: {  	[tilespmem:v3+s26+$0x0] =	vst.idx.msk $0xffff, v12  }
0xb4: {  	v3 =	vor.u32 v27, v0;
	v12 =	vld.idx.msk [tilespmem:v2+s21+$0x0], $0xffff  }
0xb5: {  	v2 =	vor.u32 v28, v1;
	_ =	sdelay $0x3  }
0xb6: {  	[tilespmem:v3+s26+$0x0] =	vst.idx.msk $0xffff, v12  }
0xb7: {  	v3 =	vor.u32 v59, v0;
	v12 =	vld.idx.msk [tilespmem:v2+s21+$0x0], $0xffff  }
0xb8: {  	v2 =	vor.u32 v30, v1;
	_ =	sdelay $0x3  }
0xb9: {  	[tilespmem:v3+s26+$0x0] =	vst.idx.msk $0xffff, v12  }
0xba: {  	v3 =	vor.u32 v31, v0;
	v12 =	vld.idx.msk [tilespmem:v2+s21+$0x0], $0xffff  }
0xbb: {  	v2 =	vor.u32 v32, v1;
	_ =	sdelay $0x3  }
0xbc: {  	[tilespmem:v3+s26+$0x0] =	vst.idx.msk $0xffff, v12  }
0xbd: {  	v3 =	vor.u32 v41, v0;
	v12 =	vld.idx.msk [tilespmem:v2+s21+$0x0], $0xffff  }
0xbe: {  	v2 =	vor.u32 v34, v1;
	_ =	sdelay $0x3  }
0xbf: {  	[tilespmem:v3+s26+$0x0] =	vst.idx.msk $0xffff, v12  }
0xc0: {  	v3 =	vor.u32 v39, v0;
	v12 =	vld.idx.msk [tilespmem:v2+s21+$0x0], $0xffff  }
0xc1: {  	v2 =	vor.u32 v36, v1;
	_ =	sdelay $0x3  }
0xc2: {  	[tilespmem:v3+s26+$0x0] =	vst.idx.msk $0xffff, v12  }
0xc3: {  	v3 =	vor.u32 v49, v0;
	v12 =	vld.idx.msk [tilespmem:v2+s21+$0x0], $0xffff  }
0xc4: {  	v2 =	vor.u32 v38, v1;
	_ =	sdelay $0x3  }
0xc5: {  	[tilespmem:v3+s26+$0x0] =	vst.idx.msk $0xffff, v12  }
0xc6: {  	v3 =	vor.u32 v51, v0;
	v12 =	vld.idx.msk [tilespmem:v2+s21+$0x0], $0xffff  }
0xc7: {  	v2 =	vor.u32 v40, v1;
	_ =	sdelay $0x3  }
0xc8: {  	[tilespmem:v3+s26+$0x0] =	vst.idx.msk $0xffff, v12  }
0xc9: {  	v3 =	vor.u32 v43, v0;
	v12 =	vld.idx.msk [tilespmem:v2+s21+$0x0], $0xffff  }
0xca: {  	v2 =	vor.u32 v42, v1;
	_ =	sdelay $0x3  }
0xcb: {  	[tilespmem:v3+s26+$0x0] =	vst.idx.msk $0xffff, v12  }
0xcc: {  	v3 =	vor.u32 v45, v0;
	v12 =	vld.idx.msk [tilespmem:v2+s21+$0x0], $0xffff  }
0xcd: {  	v2 =	vor.u32 v44, v1;
	_ =	sdelay $0x3  }
0xce: {  	[tilespmem:v3+s26+$0x0] =	vst.idx.msk $0xffff, v12  }
0xcf: {  	v3 =	vor.u32 v61, v0;
	v12 =	vld.idx.msk [tilespmem:v2+s21+$0x0], $0xffff  }
0xd0: {  	v2 =	vor.u32 v46, v1;
	_ =	sdelay $0x3  }
0xd1: {  	[tilespmem:v3+s26+$0x0] =	vst.idx.msk $0xffff, v12  }
0xd2: {  	v3 =	vor.u32 v57, v0;
	v12 =	vld.idx.msk [tilespmem:v2+s21+$0x0], $0xffff  }
0xd3: {  	v2 =	vor.u32 v48, v1;
	_ =	sdelay $0x3  }
0xd4: {  	[tilespmem:v3+s26+$0x0] =	vst.idx.msk $0xffff, v12  }
0xd5: {  	v3 =	vor.u32 v37, v0;
	v12 =	vld.idx.msk [tilespmem:v2+s21+$0x0], $0xffff  }
0xd6: {  	v2 =	vor.u32 v50, v1;
	_ =	sdelay $0x3  }
0xd7: {  	[tilespmem:v3+s26+$0x0] =	vst.idx.msk $0xffff, v12  }
0xd8: {  	v3 =	vor.u32 v55, v0;
	v12 =	vld.idx.msk [tilespmem:v2+s21+$0x0], $0xffff  }
0xd9: {  	v2 =	vor.u32 v52, v1;
	_ =	sdelay $0x3  }
0xda: {  	[tilespmem:v3+s26+$0x0] =	vst.idx.msk $0xffff, v12  }
0xdb: {  	v3 =	vor.u32 v63, v0;
	v12 =	vld.idx.msk [tilespmem:v2+s21+$0x0], $0xffff  }
0xdc: {  	v2 =	vor.u32 v54, v1;
	_ =	sdelay $0x3  }
0xdd: {  	[tilespmem:v3+s26+$0x0] =	vst.idx.msk $0xffff, v12  }
0xde: {  	v12 =	vld.idx.msk [tilespmem:v2+s21+$0x0], $0xffff  }
0xdf: {  	v2 =	vld [tilespmem:$0x1FF00];
	_ =	sdelay $0x4  }
0xe0: {  	v3 =	vor.u32 v2, v0  }
0xe1: {  	v2 =	vor.u32 v56, v1;
	_ =	sdelay $0x3  }
0xe2: {  	[tilespmem:v3+s26+$0x0] =	vst.idx.msk $0xffff, v12  }
0xe3: {  	v12 =	vld.idx.msk [tilespmem:v2+s21+$0x0], $0xffff  }
0xe4: {  	v2 =	vld [tilespmem:$0x1FF10];
	_ =	sdelay $0x4  }
0xe5: {  	v3 =	vor.u32 v2, v0  }
0xe6: {  	v2 =	vor.u32 v58, v1;
	_ =	sdelay $0x3  }
0xe7: {  	[tilespmem:v3+s26+$0x0] =	vst.idx.msk $0xffff, v12  }
0xe8: {  	v12 =	vld.idx.msk [tilespmem:v2+s21+$0x0], $0xffff  }
0xe9: {  	v2 =	vld [tilespmem:$0x1FF20];
	_ =	sdelay $0x4  }
0xea: {  	v3 =	vor.u32 v2, v0  }
0xeb: {  	v2 =	vor.u32 v60, v1;
	_ =	sdelay $0x3  }
0xec: {  	[tilespmem:v3+s26+$0x0] =	vst.idx.msk $0xffff, v12  }
0xed: {  	v12 =	vld.idx.msk [tilespmem:v2+s21+$0x0], $0xffff  }
0xee: {  	v2 =	vld [tilespmem:$0x1FF30];
	_ =	sdelay $0x4  }
0xef: {  	v3 =	vor.u32 v2, v0  }
0xf0: {  	v2 =	vor.u32 v62, v1;
	_ =	sdelay $0x3  }
0xf1: {  	[tilespmem:v3+s26+$0x0] =	vst.idx.msk $0xffff, v12  }
0xf2: {  	v12 =	vld.idx.msk [tilespmem:v2+s21+$0x0], $0xffff  }
0xf3: {  	v2 =	vld [tilespmem:$0x1FF40];
	_ =	sdelay $0x4  }
0xf4: {  	v3 =	vor.u32 v2, v0  }
0xf5: {  	v2 =	vor.u32 v33, v1;
	_ =	sdelay $0x3  }
0xf6: {  	[tilespmem:v3+s26+$0x0] =	vst.idx.msk $0xffff, v12  }
0xf7: {  	v3 =	vor.u32 v11, v0;
	v12 =	vld.idx.msk [tilespmem:v2+s21+$0x0], $0xffff  }
0xf8: {  	v2 =	vor.u32 v17, v1;
	_ =	sdelay $0x3  }
0xf9: {  	[tilespmem:v3+s26+$0x0] =	vst.idx.msk $0xffff, v12  }
0xfa: {  	v3 =	vor.u32 v23, v0;
	v2 =	vld.idx.msk [tilespmem:v2+s21+$0x0], $0xffff  }
0xfb: {  	v1 =	vor.u32 v13, v1;
	_ =	sdelay $0x2  }
0xfc: {  	v18 =	vmov v19;
	v19 =	vld [tilespmem:$0x1FF60]  }
0xfd: {  	s22 =	simm.s32 $0x1;
	[tilespmem:v3+s26+$0x0] =	vst.idx.msk $0xffff, v2  }
0xfe: {  	s8 =	sshll.u32 s25, $0x11;
	s7 =	simm.s32 $0x2;
	v12 =	vmov v6;
	v6 =	vlaneseq.u32;
	v3 =	vadd.s32 s22, v4;
	v2 =	vld.idx.msk [tilespmem:v1+s21+$0x0], $0xffff  }
.LBB2_6:
0xff: {  	_ =	sdelay $0x1  }
0x100: {  	v1 =	vand.u32 $0x1F, v3;
	v0 =	vor.u32 v19, v0  }
0x101: {  	v4 =	vor.u32 v5, v1;
	_ =	sdelay $0x1  }
0x102: {  	v5 =	vshll.u32 v3, $0x9;
	v3 =	vshll.u32 v3, $0x7  }
0x103: {  	v5 =	vand.u32 $0x3000, v5;
	v3 =	vand.u32 $0x380, v3  }
0x104: {  	[tilespmem:v0+s26+$0x0] =	vst.idx.msk $0xffff, v2;
	v0 =	vor.u32 v3, v5  }
0x105: {  	v3 =	vor.u32 v6, v0;
	v2 =	vld.idx.msk [tilespmem:v4+s21+$0x0], $0xffff  }
0x106: {  	v4 =	vor.u32 v8, v1;
	_ =	sdelay $0x3  }
0x107: {  	[tilespmem:v3+s26+$0x0] =	vst.idx.msk $0xffff, v2  }
0x108: {  	v3 =	vor.u32 v35, v0;
	v2 =	vld.idx.msk [tilespmem:v4+s21+$0x0], $0xffff  }
0x109: {  	v4 =	vor.u32 v10, v1;
	_ =	sdelay $0x3  }
0x10a: {  	[tilespmem:v3+s26+$0x0] =	vst.idx.msk $0xffff, v2  }
0x10b: {  	v3 =	vor.u32 v21, v0;
	v2 =	vld.idx.msk [tilespmem:v4+s21+$0x0], $0xffff  }
0x10c: {  	v4 =	vor.u32 v12, v1;
	_ =	sdelay $0x3  }
0x10d: {  	[tilespmem:v3+s26+$0x0] =	vst.idx.msk $0xffff, v2  }
0x10e: {  	v3 =	vor.u32 v9, v0;
	v2 =	vld.idx.msk [tilespmem:v4+s21+$0x0], $0xffff  }
0x10f: {  	v4 =	vor.u32 v14, v1;
	_ =	sdelay $0x3  }
0x110: {  	[tilespmem:v3+s26+$0x0] =	vst.idx.msk $0xffff, v2  }
0x111: {  	v3 =	vor.u32 v15, v0;
	v2 =	vld.idx.msk [tilespmem:v4+s21+$0x0], $0xffff  }
0x112: {  	v4 =	vor.u32 v16, v1;
	_ =	sdelay $0x3  }
0x113: {  	[tilespmem:v3+s26+$0x0] =	vst.idx.msk $0xffff, v2  }
0x114: {  	v3 =	vor.u32 v47, v0;
	v2 =	vld.idx.msk [tilespmem:v4+s21+$0x0], $0xffff  }
0x115: {  	v4 =	vor.u32 v18, v1;
	_ =	sdelay $0x3  }
0x116: {  	[tilespmem:v3+s26+$0x0] =	vst.idx.msk $0xffff, v2  }
0x117: {  	v3 =	vor.u32 v7, v0;
	v2 =	vld.idx.msk [tilespmem:v4+s21+$0x0], $0xffff  }
0x118: {  	v4 =	vor.u32 v20, v1;
	_ =	sdelay $0x3  }
0x119: {  	[tilespmem:v3+s26+$0x0] =	vst.idx.msk $0xffff, v2  }
0x11a: {  	v3 =	vor.u32 v25, v0;
	v2 =	vld.idx.msk [tilespmem:v4+s21+$0x0], $0xffff  }
0x11b: {  	v4 =	vor.u32 v22, v1;
	_ =	sdelay $0x3  }
0x11c: {  	[tilespmem:v3+s26+$0x0] =	vst.idx.msk $0xffff, v2  }
0x11d: {  	v3 =	vor.u32 v53, v0;
	v2 =	vld.idx.msk [tilespmem:v4+s21+$0x0], $0xffff  }
0x11e: {  	v4 =	vor.u32 v24, v1;
	_ =	sdelay $0x3  }
0x11f: {  	[tilespmem:v3+s26+$0x0] =	vst.idx.msk $0xffff, v2  }
0x120: {  	v3 =	vor.u32 v29, v0;
	v2 =	vld.idx.msk [tilespmem:v4+s21+$0x0], $0xffff  }
0x121: {  	v4 =	vor.u32 v26, v1;
	_ =	sdelay $0x3  }
0x122: {  	[tilespmem:v3+s26+$0x0] =	vst.idx.msk $0xffff, v2  }
0x123: {  	v3 =	vor.u32 v27, v0;
	v2 =	vld.idx.msk [tilespmem:v4+s21+$0x0], $0xffff  }
0x124: {  	v4 =	vor.u32 v28, v1;
	_ =	sdelay $0x3  }
0x125: {  	[tilespmem:v3+s26+$0x0] =	vst.idx.msk $0xffff, v2  }
0x126: {  	v3 =	vor.u32 v59, v0;
	v2 =	vld.idx.msk [tilespmem:v4+s21+$0x0], $0xffff  }
0x127: {  	v4 =	vor.u32 v30, v1;
	_ =	sdelay $0x3  }
0x128: {  	[tilespmem:v3+s26+$0x0] =	vst.idx.msk $0xffff, v2  }
0x129: {  	v3 =	vor.u32 v31, v0;
	v2 =	vld.idx.msk [tilespmem:v4+s21+$0x0], $0xffff  }
0x12a: {  	v4 =	vor.u32 v32, v1;
	_ =	sdelay $0x3  }
0x12b: {  	[tilespmem:v3+s26+$0x0] =	vst.idx.msk $0xffff, v2  }
0x12c: {  	v3 =	vor.u32 v41, v0;
	v2 =	vld.idx.msk [tilespmem:v4+s21+$0x0], $0xffff  }
0x12d: {  	v4 =	vor.u32 v34, v1;
	_ =	sdelay $0x3  }
0x12e: {  	[tilespmem:v3+s26+$0x0] =	vst.idx.msk $0xffff, v2  }
0x12f: {  	v3 =	vor.u32 v39, v0;
	v2 =	vld.idx.msk [tilespmem:v4+s21+$0x0], $0xffff  }
0x130: {  	v4 =	vor.u32 v36, v1;
	_ =	sdelay $0x3  }
0x131: {  	[tilespmem:v3+s26+$0x0] =	vst.idx.msk $0xffff, v2  }
0x132: {  	v3 =	vor.u32 v49, v0;
	v2 =	vld.idx.msk [tilespmem:v4+s21+$0x0], $0xffff  }
0x133: {  	v4 =	vor.u32 v38, v1;
	_ =	sdelay $0x3  }
0x134: {  	[tilespmem:v3+s26+$0x0] =	vst.idx.msk $0xffff, v2  }
0x135: {  	v3 =	vor.u32 v51, v0;
	v2 =	vld.idx.msk [tilespmem:v4+s21+$0x0], $0xffff  }
0x136: {  	v4 =	vor.u32 v40, v1;
	_ =	sdelay $0x3  }
0x137: {  	[tilespmem:v3+s26+$0x0] =	vst.idx.msk $0xffff, v2  }
0x138: {  	v3 =	vor.u32 v43, v0;
	v2 =	vld.idx.msk [tilespmem:v4+s21+$0x0], $0xffff  }
0x139: {  	v4 =	vor.u32 v42, v1;
	_ =	sdelay $0x3  }
0x13a: {  	[tilespmem:v3+s26+$0x0] =	vst.idx.msk $0xffff, v2  }
0x13b: {  	v3 =	vor.u32 v45, v0;
	v2 =	vld.idx.msk [tilespmem:v4+s21+$0x0], $0xffff  }
0x13c: {  	v4 =	vor.u32 v44, v1;
	_ =	sdelay $0x3  }
0x13d: {  	[tilespmem:v3+s26+$0x0] =	vst.idx.msk $0xffff, v2  }
0x13e: {  	v3 =	vor.u32 v61, v0;
	v2 =	vld.idx.msk [tilespmem:v4+s21+$0x0], $0xffff  }
0x13f: {  	v4 =	vor.u32 v46, v1;
	_ =	sdelay $0x3  }
0x140: {  	[tilespmem:v3+s26+$0x0] =	vst.idx.msk $0xffff, v2  }
0x141: {  	v3 =	vor.u32 v57, v0;
	v2 =	vld.idx.msk [tilespmem:v4+s21+$0x0], $0xffff  }
0x142: {  	v4 =	vor.u32 v48, v1;
	_ =	sdelay $0x3  }
0x143: {  	[tilespmem:v3+s26+$0x0] =	vst.idx.msk $0xffff, v2  }
0x144: {  	v3 =	vor.u32 v37, v0;
	v2 =	vld.idx.msk [tilespmem:v4+s21+$0x0], $0xffff  }
0x145: {  	v4 =	vor.u32 v50, v1;
	_ =	sdelay $0x3  }
0x146: {  	[tilespmem:v3+s26+$0x0] =	vst.idx.msk $0xffff, v2  }
0x147: {  	v3 =	vor.u32 v55, v0;
	v2 =	vld.idx.msk [tilespmem:v4+s21+$0x0], $0xffff  }
0x148: {  	v4 =	vor.u32 v52, v1;
	_ =	sdelay $0x3  }
0x149: {  	[tilespmem:v3+s26+$0x0] =	vst.idx.msk $0xffff, v2  }
0x14a: {  	v3 =	vor.u32 v63, v0;
	v2 =	vld.idx.msk [tilespmem:v4+s21+$0x0], $0xffff;
	_ =	sdelay $0x4  }
0x14b: {  	v4 =	vor.u32 v54, v1;
	[tilespmem:v3+s26+$0x0] =	vst.idx.msk $0xffff, v2;
	v3 =	vld [tilespmem:$0x1FF00];
	_ =	sdelay $0x4  }
0x14c: {  	v2 =	vld.idx.msk [tilespmem:v4+s21+$0x0], $0xffff;
	v3 =	vor.u32 v3, v0;
	_ =	sdelay $0x4  }
0x14d: {  	v4 =	vor.u32 v56, v1;
	[tilespmem:v3+s26+$0x0] =	vst.idx.msk $0xffff, v2;
	v3 =	vld [tilespmem:$0x1FF10];
	_ =	sdelay $0x4  }
0x14e: {  	v2 =	vld.idx.msk [tilespmem:v4+s21+$0x0], $0xffff;
	v3 =	vor.u32 v3, v0;
	_ =	sdelay $0x4  }
0x14f: {  	v4 =	vor.u32 v58, v1;
	[tilespmem:v3+s26+$0x0] =	vst.idx.msk $0xffff, v2;
	v3 =	vld [tilespmem:$0x1FF20];
	_ =	sdelay $0x4  }
0x150: {  	v2 =	vld.idx.msk [tilespmem:v4+s21+$0x0], $0xffff;
	v3 =	vor.u32 v3, v0;
	_ =	sdelay $0x4  }
0x151: {  	v4 =	vor.u32 v60, v1;
	[tilespmem:v3+s26+$0x0] =	vst.idx.msk $0xffff, v2;
	v3 =	vld [tilespmem:$0x1FF30];
	_ =	sdelay $0x4  }
0x152: {  	v2 =	vld.idx.msk [tilespmem:v4+s21+$0x0], $0xffff;
	v3 =	vor.u32 v3, v0;
	_ =	sdelay $0x4  }
0x153: {  	v4 =	vor.u32 v62, v1;
	[tilespmem:v3+s26+$0x0] =	vst.idx.msk $0xffff, v2;
	v3 =	vld [tilespmem:$0x1FF40];
	_ =	sdelay $0x4  }
0x154: {  	v2 =	vld.idx.msk [tilespmem:v4+s21+$0x0], $0xffff;
	v3 =	vor.u32 v3, v0  }
0x155: {  	v4 =	vor.u32 v33, v1;
	_ =	sdelay $0x3  }
0x156: {  	[tilespmem:v3+s26+$0x0] =	vst.idx.msk $0xffff, v2  }
0x157: {  	v3 =	vor.u32 v11, v0;
	v2 =	vld.idx.msk [tilespmem:v4+s21+$0x0], $0xffff  }
0x158: {  	v4 =	vor.u32 v17, v1;
	_ =	sdelay $0x3  }
0x159: {  	[tilespmem:v3+s26+$0x0] =	vst.idx.msk $0xffff, v2  }
0x15a: {  	v3 =	vor.u32 v23, v0;
	v2 =	vld.idx.msk [tilespmem:v4+s21+$0x0], $0xffff  }
0x15b: {  	p2 =	sne.s32 s7, $0x1F;
	v1 =	vor.u32 v13, v1  }
.Ltmp2:
0x15c: {  	_ = 	snop;
	(pc) =	sbr.rel @p2 .LBB2_6-.Ltmp2, $3  }
0x15d: {  	_ =	sdelay $0x1  }
0x15e: {  	v5 =	vld [tilespmem:$0x1FF50];
	[tilespmem:v3+s26+$0x0] =	vst.idx.msk $0xffff, v2  }
0x15f: {  	v3 =	vadd.s32 s7, v6;
	s7 =	sadd.s32 $0x1, s7;
	v2 =	vld.idx.msk [tilespmem:v1+s21+$0x0], $0xffff  }
0x160: {  	_ =	sdelay $0x1  }
0x161: {  	v1 =	vand.u32 $0x1F, v3;
	v0 =	vor.u32 v19, v0  }
0x162: {  	v4 =	vor.u32 v5, v1;
	_ =	sdelay $0x1  }
0x163: {  	v5 =	vshll.u32 v3, $0x9;
	v3 =	vshll.u32 v3, $0x7  }
0x164: {  	v5 =	vand.u32 $0x3000, v5;
	v3 =	vand.u32 $0x380, v3  }
0x165: {  	[tilespmem:v0+s26+$0x0] =	vst.idx.msk $0xffff, v2;
	v0 =	vor.u32 v3, v5  }
0x166: {  	v3 =	vor.u32 v6, v0;
	v2 =	vld.idx.msk [tilespmem:v4+s21+$0x0], $0xffff  }
0x167: {  	v4 =	vor.u32 v8, v1;
	_ =	sdelay $0x3  }
0x168: {  	v5 =	vmov v35;
	[tilespmem:v3+s26+$0x0] =	vst.idx.msk $0xffff, v2  }
0x169: {  	v3 =	vor.u32 v5, v0;
	v2 =	vld.idx.msk [tilespmem:v4+s21+$0x0], $0xffff  }
0x16a: {  	v4 =	vor.u32 v10, v1;
	_ =	sdelay $0x3  }
0x16b: {  	v5 =	vmov v21;
	[tilespmem:v3+s26+$0x0] =	vst.idx.msk $0xffff, v2  }
0x16c: {  	v3 =	vor.u32 v5, v0;
	v2 =	vld.idx.msk [tilespmem:v4+s21+$0x0], $0xffff  }
0x16d: {  	v4 =	vor.u32 v12, v1;
	_ =	sdelay $0x3  }
0x16e: {  	[tilespmem:v3+s26+$0x0] =	vst.idx.msk $0xffff, v2  }
0x16f: {  	v3 =	vor.u32 v9, v0;
	v2 =	vld.idx.msk [tilespmem:v4+s21+$0x0], $0xffff  }
0x170: {  	v4 =	vor.u32 v14, v1;
	_ =	sdelay $0x3  }
0x171: {  	v5 =	vmov v15;
	[tilespmem:v3+s26+$0x0] =	vst.idx.msk $0xffff, v2  }
0x172: {  	v3 =	vor.u32 v5, v0;
	v2 =	vld.idx.msk [tilespmem:v4+s21+$0x0], $0xffff  }
0x173: {  	v4 =	vor.u32 v16, v1;
	_ =	sdelay $0x3  }
0x174: {  	[tilespmem:v3+s26+$0x0] =	vst.idx.msk $0xffff, v2  }
0x175: {  	v3 =	vor.u32 v47, v0;
	v2 =	vld.idx.msk [tilespmem:v4+s21+$0x0], $0xffff  }
0x176: {  	v4 =	vor.u32 v18, v1;
	_ =	sdelay $0x3  }
0x177: {  	[tilespmem:v3+s26+$0x0] =	vst.idx.msk $0xffff, v2  }
0x178: {  	v3 =	vor.u32 v7, v0;
	v2 =	vld.idx.msk [tilespmem:v4+s21+$0x0], $0xffff  }
0x179: {  	v4 =	vor.u32 v20, v1;
	_ =	sdelay $0x3  }
0x17a: {  	[tilespmem:v3+s26+$0x0] =	vst.idx.msk $0xffff, v2  }
0x17b: {  	v3 =	vor.u32 v25, v0;
	v2 =	vld.idx.msk [tilespmem:v4+s21+$0x0], $0xffff  }
0x17c: {  	v4 =	vor.u32 v22, v1;
	_ =	sdelay $0x3  }
0x17d: {  	[tilespmem:v3+s26+$0x0] =	vst.idx.msk $0xffff, v2  }
0x17e: {  	v3 =	vor.u32 v53, v0;
	v2 =	vld.idx.msk [tilespmem:v4+s21+$0x0], $0xffff  }
0x17f: {  	v4 =	vor.u32 v24, v1;
	_ =	sdelay $0x3  }
0x180: {  	[tilespmem:v3+s26+$0x0] =	vst.idx.msk $0xffff, v2  }
0x181: {  	v3 =	vor.u32 v29, v0;
	v2 =	vld.idx.msk [tilespmem:v4+s21+$0x0], $0xffff  }
0x182: {  	v4 =	vor.u32 v26, v1;
	_ =	sdelay $0x3  }
0x183: {  	[tilespmem:v3+s26+$0x0] =	vst.idx.msk $0xffff, v2  }
0x184: {  	v3 =	vor.u32 v27, v0;
	v2 =	vld.idx.msk [tilespmem:v4+s21+$0x0], $0xffff  }
0x185: {  	v4 =	vor.u32 v28, v1;
	_ =	sdelay $0x3  }
0x186: {  	[tilespmem:v3+s26+$0x0] =	vst.idx.msk $0xffff, v2  }
0x187: {  	v3 =	vor.u32 v59, v0;
	v2 =	vld.idx.msk [tilespmem:v4+s21+$0x0], $0xffff  }
0x188: {  	v4 =	vor.u32 v30, v1;
	_ =	sdelay $0x3  }
0x189: {  	[tilespmem:v3+s26+$0x0] =	vst.idx.msk $0xffff, v2  }
0x18a: {  	v3 =	vor.u32 v31, v0;
	v2 =	vld.idx.msk [tilespmem:v4+s21+$0x0], $0xffff  }
0x18b: {  	v4 =	vor.u32 v32, v1;
	_ =	sdelay $0x3  }
0x18c: {  	v5 =	vmov v41;
	[tilespmem:v3+s26+$0x0] =	vst.idx.msk $0xffff, v2  }
0x18d: {  	v3 =	vor.u32 v5, v0;
	v2 =	vld.idx.msk [tilespmem:v4+s21+$0x0], $0xffff  }
0x18e: {  	v4 =	vor.u32 v34, v1;
	_ =	sdelay $0x3  }
0x18f: {  	v5 =	vmov v39;
	[tilespmem:v3+s26+$0x0] =	vst.idx.msk $0xffff, v2  }
0x190: {  	v3 =	vor.u32 v5, v0;
	v2 =	vld.idx.msk [tilespmem:v4+s21+$0x0], $0xffff  }
0x191: {  	v4 =	vor.u32 v36, v1;
	_ =	sdelay $0x3  }
0x192: {  	[tilespmem:v3+s26+$0x0] =	vst.idx.msk $0xffff, v2  }
0x193: {  	v3 =	vor.u32 v49, v0;
	v2 =	vld.idx.msk [tilespmem:v4+s21+$0x0], $0xffff  }
0x194: {  	v4 =	vor.u32 v38, v1;
	_ =	sdelay $0x3  }
0x195: {  	v5 =	vmov v51;
	[tilespmem:v3+s26+$0x0] =	vst.idx.msk $0xffff, v2  }
0x196: {  	v3 =	vor.u32 v5, v0;
	v2 =	vld.idx.msk [tilespmem:v4+s21+$0x0], $0xffff  }
0x197: {  	v4 =	vor.u32 v40, v1;
	_ =	sdelay $0x3  }
0x198: {  	v5 =	vmov v43;
	[tilespmem:v3+s26+$0x0] =	vst.idx.msk $0xffff, v2  }
0x199: {  	v3 =	vor.u32 v5, v0;
	v2 =	vld.idx.msk [tilespmem:v4+s21+$0x0], $0xffff  }
0x19a: {  	v4 =	vor.u32 v42, v1;
	_ =	sdelay $0x3  }
0x19b: {  	v5 =	vmov v45;
	[tilespmem:v3+s26+$0x0] =	vst.idx.msk $0xffff, v2  }
0x19c: {  	v3 =	vor.u32 v5, v0;
	v2 =	vld.idx.msk [tilespmem:v4+s21+$0x0], $0xffff  }
0x19d: {  	v4 =	vor.u32 v44, v1;
	_ =	sdelay $0x3  }
0x19e: {  	[tilespmem:v3+s26+$0x0] =	vst.idx.msk $0xffff, v2  }
0x19f: {  	v3 =	vor.u32 v61, v0;
	v2 =	vld.idx.msk [tilespmem:v4+s21+$0x0], $0xffff  }
0x1a0: {  	v4 =	vor.u32 v46, v1;
	_ =	sdelay $0x3  }
0x1a1: {  	v5 =	vmov v57;
	[tilespmem:v3+s26+$0x0] =	vst.idx.msk $0xffff, v2  }
0x1a2: {  	v3 =	vor.u32 v5, v0;
	v2 =	vld.idx.msk [tilespmem:v4+s21+$0x0], $0xffff  }
0x1a3: {  	v4 =	vor.u32 v48, v1;
	_ =	sdelay $0x3  }
0x1a4: {  	[tilespmem:v3+s26+$0x0] =	vst.idx.msk $0xffff, v2  }
0x1a5: {  	v3 =	vor.u32 v37, v0;
	v2 =	vld.idx.msk [tilespmem:v4+s21+$0x0], $0xffff  }
0x1a6: {  	v4 =	vor.u32 v50, v1;
	_ =	sdelay $0x3  }
0x1a7: {  	[tilespmem:v3+s26+$0x0] =	vst.idx.msk $0xffff, v2  }
0x1a8: {  	v3 =	vor.u32 v55, v0;
	v2 =	vld.idx.msk [tilespmem:v4+s21+$0x0], $0xffff  }
0x1a9: {  	v4 =	vor.u32 v52, v1;
	_ =	sdelay $0x3  }
0x1aa: {  	[tilespmem:v3+s26+$0x0] =	vst.idx.msk $0xffff, v2  }
0x1ab: {  	v3 =	vor.u32 v63, v0;
	v2 =	vld.idx.msk [tilespmem:v4+s21+$0x0], $0xffff;
	_ =	sdelay $0x4  }
0x1ac: {  	v4 =	vor.u32 v54, v1;
	[tilespmem:v3+s26+$0x0] =	vst.idx.msk $0xffff, v2;
	v3 =	vld [tilespmem:$0x1FF00];
	_ =	sdelay $0x4  }
0x1ad: {  	v2 =	vld.idx.msk [tilespmem:v4+s21+$0x0], $0xffff;
	v3 =	vor.u32 v3, v0;
	_ =	sdelay $0x4  }
0x1ae: {  	v4 =	vor.u32 v56, v1;
	[tilespmem:v3+s26+$0x0] =	vst.idx.msk $0xffff, v2;
	v3 =	vld [tilespmem:$0x1FF10];
	_ =	sdelay $0x4  }
0x1af: {  	v2 =	vld.idx.msk [tilespmem:v4+s21+$0x0], $0xffff;
	v3 =	vor.u32 v3, v0;
	_ =	sdelay $0x4  }
0x1b0: {  	v4 =	vor.u32 v58, v1;
	[tilespmem:v3+s26+$0x0] =	vst.idx.msk $0xffff, v2;
	v3 =	vld [tilespmem:$0x1FF20];
	_ =	sdelay $0x4  }
0x1b1: {  	v2 =	vld.idx.msk [tilespmem:v4+s21+$0x0], $0xffff;
	v3 =	vor.u32 v3, v0;
	_ =	sdelay $0x4  }
0x1b2: {  	v4 =	vor.u32 v60, v1;
	[tilespmem:v3+s26+$0x0] =	vst.idx.msk $0xffff, v2;
	v3 =	vld [tilespmem:$0x1FF30];
	_ =	sdelay $0x4  }
0x1b3: {  	v2 =	vld.idx.msk [tilespmem:v4+s21+$0x0], $0xffff;
	v3 =	vor.u32 v3, v0;
	_ =	sdelay $0x4  }
0x1b4: {  	v4 =	vor.u32 v62, v1;
	[tilespmem:v3+s26+$0x0] =	vst.idx.msk $0xffff, v2;
	v3 =	vld [tilespmem:$0x1FF40];
	_ =	sdelay $0x4  }
0x1b5: {  	v2 =	vld.idx.msk [tilespmem:v4+s21+$0x0], $0xffff;
	v3 =	vor.u32 v3, v0  }
0x1b6: {  	v4 =	vor.u32 v33, v1;
	_ =	sdelay $0x3  }
0x1b7: {  	[tilespmem:v3+s26+$0x0] =	vst.idx.msk $0xffff, v2  }
0x1b8: {  	v3 =	vor.u32 v11, v0;
	v2 =	vld.idx.msk [tilespmem:v4+s21+$0x0], $0xffff  }
0x1b9: {  	v4 =	vor.u32 v17, v1;
	_ =	sdelay $0x3  }
0x1ba: {  	[tilespmem:v3+s26+$0x0] =	vst.idx.msk $0xffff, v2  }
0x1bb: {  	v3 =	vor.u32 v23, v0;
	v2 =	vld.idx.msk [tilespmem:v4+s21+$0x0], $0xffff  }
0x1bc: {  	v1 =	vor.u32 v13, v1;
	_ =	sdelay $0x3  }
0x1bd: {  	[tilespmem:v3+s26+$0x0] =	vst.idx.msk $0xffff, v2  }
0x1be: {  	v0 =	vor.u32 v19, v0;
	v1 =	vld.idx.msk [tilespmem:v1+s21+$0x0], $0xffff;
	_ =	sdelay $0x3  }
0x1bf: {  	s8 =	sor.u32 s6, s8;
	s0 =	rddreg [dreg:$0x2]  }
0x1c0: {  	s7 =	sadd.s32 s0, s8;
	[tilespmem:v0+s26+$0x0] =	vst.idx.msk $0xffff, v1  }
0x1c1: {  	[hbm4b:s7+s4] =	stream.linear.scatter [tilespmem:s26], [sflag:$0x5], $0x1000, $0x38;
	[tilespmem:$0x10400] =	vst v63  }
0x1c2: {  	s22 =	simm.s32 $0x9400;
	s3 =	sadd.s32 s8, s11  }
0x1c3: {  	[hbm4b:s3+s4] =	stream.linear.scatter [tilespmem:s22], [sflag:$0x5], $0x1000, $0x38;
	[tilespmem:$0x10400] =	vst v63  }
0x1c4: {  	s3 =	sadd.s32 s8, s12;
	s22 =	simm.s32 $0xA400  }
0x1c5: {  	[hbm4b:s3+s4] =	stream.linear.scatter [tilespmem:s22], [sflag:$0x5], $0x1000, $0x38;
	[tilespmem:$0x10400] =	vst v63  }
0x1c6: {  	s0 =	sadd.s32 s8, s13;
	s3 =	simm.s32 $0xB400  }
0x1c7: {  	[hbm4b:s0+s4] =	stream.linear.scatter [tilespmem:s3], [sflag:$0x5], $0x1000, $0x38;
	[tilespmem:$0x10400] =	vst v63  }
0x1c8: {  	_ =	swait.ge [sflag:s19], $0x1000  }
0x1c9: {  	[sflag:s19] =	ssyncset.done $0x0  }
0x1ca: {  	[sflag:s19] =	ssyncadd.s32 $0xFFFFF000  }
0x1cb: {  	_ =	swait.ge [sflag:s19], $0x1000  }
0x1cc: {  	[sflag:s19] =	ssyncset.done $0x0  }
0x1cd: {  	[sflag:s19] =	ssyncadd.s32 $0xFFFFF000  }
0x1ce: {  	_ =	swait.ge [sflag:s19], $0x1000  }
0x1cf: {  	[sflag:s19] =	ssyncset.done $0x0  }
0x1d0: {  	[sflag:s19] =	ssyncadd.s32 $0xFFFFF000  }
0x1d1: {  	_ =	swait.ge [sflag:s19], $0x1000  }
0x1d2: {  	[sflag:s19] =	ssyncset.done $0x0  }
0x1d3: {  	s7 =	simm.s32 @!p0 $0x1;
	[sflag:s19] =	ssyncadd.s32 $0xFFFFF000  }
0x1d4: {  	_ =	swait.ge @!p0 [sflag:s7], $0x200  }
0x1d5: {  	s0 =	simm.s32 @!p0 $0x0;
	[sflag:s7] =	ssyncset.done @!p0 $0x0  }
0x1d6: {  	s3 =	simm.s32 @!p0 $0x400;
	[sflag:s7] =	ssyncadd.s32 @!p0 $0xFFFFFE00;
	s7 =	simm.s32 @!p0 $0x80  }
0x1d7: {  	[tilespmem:s3], [sflag:$0x3] =	stream.indirect.gather @!p0 [hbm4b:s5+s7], $0x20, s0, s7, $0xb8;
	[tilespmem:$0x10400] =	vst v63  }
0x1d8: {  	s3 =	simm.s32 @!p0 $0x1400  }
0x1d9: {  	[tilespmem:s3], [sflag:$0x3] =	stream.indirect.gather @!p0 [hbm4b:s5+s7], $0x20, s7, s7, $0xb8;
	[tilespmem:$0x10400] =	vst v63  }
0x1da: {  	s22 =	simm.s32 @!p0 $0x2400;
	s3 =	simm.s32 @!p0 $0x100  }
0x1db: {  	[tilespmem:s22], [sflag:$0x3] =	stream.indirect.gather @!p0 [hbm4b:s5+s7], $0x20, s3, s7, $0xb8;
	[tilespmem:$0x10400] =	vst v63  }
0x1dc: {  	s3 =	simm.s32 @!p0 $0x180;
	s22 =	simm.s32 @!p0 $0x3400  }
0x1dd: {  	[tilespmem:s22], [sflag:$0x3] =	stream.indirect.gather @!p0 [hbm4b:s5+s7], $0x20, s3, s7, $0xb8;
	[tilespmem:$0x10400] =	vst v63  }
0x1de: {  	s3 =	sadd.s32 @!p0 s10, s18  }
0x1df: {  	s3 =	sshrl.u32 @!p0 s3, $0x3  }
0x1e0: {  	s7 =	simm.s32 @!p0 $0x200;
	s3 =	sadd.s32 @!p0 s1, s3  }
0x1e1: {  	[tilespmem:s7], [sflag:$0x2] =	stream.linear.gather @!p0 [hbm4b:s3+s0], $0x200, $0x38;
	[tilespmem:$0x10400] =	vst v63  }
0x1e2: {  	p0 =	por p0, !p1  }
0x1e3: {  	_ =	swait.ge @p0 [sflag:s24], $0x1000  }
0x1e4: {  	[sflag:s24] =	ssyncset.done @p0 $0x0  }
0x1e5: {  	[sflag:s24] =	ssyncadd.s32 @p0 $0xFFFFF000  }
0x1e6: {  	_ =	swait.ge @p0 [sflag:s24], $0x1000  }
0x1e7: {  	[sflag:s24] =	ssyncset.done @p0 $0x0  }
0x1e8: {  	[sflag:s24] =	ssyncadd.s32 @p0 $0xFFFFF000  }
0x1e9: {  	_ =	swait.ge @p0 [sflag:s24], $0x1000  }
0x1ea: {  	[sflag:s24] =	ssyncset.done @p0 $0x0  }
0x1eb: {  	[sflag:s24] =	ssyncadd.s32 @p0 $0xFFFFF000  }
0x1ec: {  	_ =	swait.ge @p0 [sflag:s24], $0x1000  }
0x1ed: {  	v7 =	vld [tilespmem:$0x1FF50];
	_ =	sdelay $0x1  }
0x1ee: {  	v5 =	vlaneseq.u32;
	s18 =	simm.s32 $0x0  }
0x1ef: {  	v0 =	vadd.s32 s18, v5  }
0x1f0: {  	v1 =	vand.u32 $0x1F, v0  }
0x1f1: {  	v2 =	vor.u32 v7, v1;
	_ =	sdelay $0x1  }
0x1f2: {  	v3 =	vshll.u32 v0, $0x9;
	v0 =	vshll.u32 v0, $0x7  }
0x1f3: {  	v3 =	vand.u32 $0x3000, v3;
	v0 =	vand.u32 $0x380, v0;
	[sflag:s24] =	ssyncset.done @p0 $0x0  }
0x1f4: {  	v0 =	vor.u32 v0, v3;
	[sflag:s24] =	ssyncadd.s32 @p0 $0xFFFFF000  }
0x1f5: {  	v3 =	vor.u32 v5, v0;
	v2 =	vld.idx.msk [tilespmem:v2+s31+$0x0], $0xffff;
	_ =	sdelay $0x3  }
0x1f6: {  	v35 =	vmov v8  }
0x1f7: {  	v4 =	vor.u32 v35, v1;
	[tilespmem:v3+s2+$0x0] =	vst.idx.msk $0xffff, v2;
	v3 =	vld [tilespmem:$0x1FD90];
	_ =	sdelay $0x4  }
0x1f8: {  	v21 =	vmov v10;
	v2 =	vld.idx.msk [tilespmem:v4+s31+$0x0], $0xffff;
	v3 =	vor.u32 v3, v0  }
0x1f9: {  	v4 =	vor.u32 v21, v1;
	_ =	sdelay $0x3  }
0x1fa: {  	[tilespmem:v3+s2+$0x0] =	vst.idx.msk $0xffff, v2;
	v3 =	vld [tilespmem:$0x1FDA0]  }
0x1fb: {  	v2 =	vld.idx.msk [tilespmem:v4+s31+$0x0], $0xffff  }
0x1fc: {  	v4 =	vld [tilespmem:$0x1FFB0];
	_ =	sdelay $0x3  }
0x1fd: {  	v3 =	vor.u32 v3, v0  }
0x1fe: {  	v12 =	vmovc v18;
	v18 =	vmov v24;
	v13 =	vld [tilespmem:$0x1FDB0];
	v24 =	vmov v4;
	v4 =	vor.u32 v4, v1;
	_ =	sdelay $0x3  }
0x1ff: {  	[tilespmem:v3+s2+$0x0] =	vst.idx.msk $0xffff, v2  }
0x200: {  	v15 =	vmov v14;
	v3 =	vor.u32 v13, v0;
	v2 =	vld.idx.msk [tilespmem:v4+s31+$0x0], $0xffff  }
0x201: {  	v51 =	vmov v38;
	v38 =	vld [tilespmem:$0x1FDC0];
	v4 =	vor.u32 v15, v1;
	_ =	sdelay $0x3  }
0x202: {  	[tilespmem:v3+s2+$0x0] =	vst.idx.msk $0xffff, v2  }
0x203: {  	v10 =	vmov v16;
	v3 =	vor.u32 v38, v0;
	v2 =	vld.idx.msk [tilespmem:v4+s31+$0x0], $0xffff  }
0x204: {  	v17 =	vld [tilespmem:$0x1FDD0];
	v4 =	vor.u32 v10, v1;
	_ =	sdelay $0x3  }
0x205: {  	[tilespmem:v3+s2+$0x0] =	vst.idx.msk $0xffff, v2  }
0x206: {  	v3 =	vor.u32 v17, v0;
	v2 =	vld.idx.msk [tilespmem:v4+s31+$0x0], $0xffff  }
0x207: {  	v19 =	vld [tilespmem:$0x1FDE0];
	v4 =	vor.u32 v12, v1;
	_ =	sdelay $0x3  }
0x208: {  	[tilespmem:v3+s2+$0x0] =	vst.idx.msk $0xffff, v2  }
0x209: {  	v14 =	vmov v20;
	v3 =	vor.u32 v19, v0;
	v2 =	vld.idx.msk [tilespmem:v4+s31+$0x0], $0xffff  }
0x20a: {  	v25 =	vmov v22;
	v22 =	vld [tilespmem:$0x1FDF0];
	v4 =	vor.u32 v14, v1;
	_ =	sdelay $0x3  }
0x20b: {  	[tilespmem:v3+s2+$0x0] =	vst.idx.msk $0xffff, v2  }
0x20c: {  	v3 =	vor.u32 v22, v0;
	v2 =	vld.idx.msk [tilespmem:v4+s31+$0x0], $0xffff;
	_ =	sdelay $0x4  }
0x20d: {  	v4 =	vor.u32 v25, v1;
	[tilespmem:v3+s2+$0x0] =	vst.idx.msk $0xffff, v2;
	v3 =	vld [tilespmem:$0x1FE00];
	_ =	sdelay $0x4  }
0x20e: {  	v2 =	vld.idx.msk [tilespmem:v4+s31+$0x0], $0xffff;
	v3 =	vor.u32 v3, v0  }
0x20f: {  	v39 =	vmov v34;
	v34 =	vld [tilespmem:$0x1FE10];
	v4 =	vor.u32 v18, v1;
	_ =	sdelay $0x3  }
0x210: {  	[tilespmem:v3+s2+$0x0] =	vst.idx.msk $0xffff, v2  }
0x211: {  	v3 =	vor.u32 v34, v0;
	v2 =	vld.idx.msk [tilespmem:v4+s31+$0x0], $0xffff;
	_ =	sdelay $0x3  }
0x212: {  	v16 =	vmov v26  }
0x213: {  	v4 =	vor.u32 v16, v1;
	[tilespmem:v3+s2+$0x0] =	vst.idx.msk $0xffff, v2;
	v3 =	vld [tilespmem:$0x1FE20];
	_ =	sdelay $0x4  }
0x214: {  	v29 =	vmov v28;
	v2 =	vld.idx.msk [tilespmem:v4+s31+$0x0], $0xffff;
	v3 =	vor.u32 v3, v0  }
0x215: {  	v43 =	vmov v40;
	v40 =	vld [tilespmem:$0x1FE30];
	v4 =	vor.u32 v29, v1;
	_ =	sdelay $0x3  }
0x216: {  	[tilespmem:v3+s2+$0x0] =	vst.idx.msk $0xffff, v2  }
0x217: {  	v8 =	vmov v30;
	v3 =	vor.u32 v40, v0;
	v2 =	vld.idx.msk [tilespmem:v4+s31+$0x0], $0xffff  }
0x218: {  	v31 =	vld [tilespmem:$0x1FE40];
	v4 =	vor.u32 v8, v1;
	_ =	sdelay $0x3  }
0x219: {  	[tilespmem:v3+s2+$0x0] =	vst.idx.msk $0xffff, v2  }
0x21a: {  	v41 =	vmov v32;
	v3 =	vor.u32 v31, v0;
	v2 =	vld.idx.msk [tilespmem:v4+s31+$0x0], $0xffff  }
0x21b: {  	v6 =	vmov v33;
	v33 =	vld [tilespmem:$0x1FE50];
	v4 =	vor.u32 v41, v1;
	_ =	sdelay $0x3  }
0x21c: {  	[tilespmem:v3+s2+$0x0] =	vst.idx.msk $0xffff, v2  }
0x21d: {  	v3 =	vor.u32 v33, v0;
	v2 =	vld.idx.msk [tilespmem:v4+s31+$0x0], $0xffff  }
0x21e: {  	v20 =	vld [tilespmem:$0x1FE60];
	v4 =	vor.u32 v39, v1;
	_ =	sdelay $0x3  }
0x21f: {  	[tilespmem:v3+s2+$0x0] =	vst.idx.msk $0xffff, v2  }
0x220: {  	v47 =	vmov v36;
	v3 =	vor.u32 v20, v0;
	v2 =	vld.idx.msk [tilespmem:v4+s31+$0x0], $0xffff  }
0x221: {  	v37 =	vld [tilespmem:$0x1FE70];
	v4 =	vor.u32 v47, v1;
	_ =	sdelay $0x3  }
0x222: {  	[tilespmem:v3+s2+$0x0] =	vst.idx.msk $0xffff, v2  }
0x223: {  	v3 =	vor.u32 v37, v0;
	v2 =	vld.idx.msk [tilespmem:v4+s31+$0x0], $0xffff  }
0x224: {  	v57 =	vmov v46;
	v46 =	vld [tilespmem:$0x1FE80];
	v4 =	vor.u32 v51, v1;
	_ =	sdelay $0x3  }
0x225: {  	[tilespmem:v3+s2+$0x0] =	vst.idx.msk $0xffff, v2  }
0x226: {  	v3 =	vor.u32 v46, v0;
	v2 =	vld.idx.msk [tilespmem:v4+s31+$0x0], $0xffff  }
0x227: {  	v61 =	vmov v56;
	v56 =	vld [tilespmem:$0x1FE90];
	v4 =	vor.u32 v43, v1;
	_ =	sdelay $0x3  }
0x228: {  	[tilespmem:v3+s2+$0x0] =	vst.idx.msk $0xffff, v2  }
0x229: {  	v45 =	vmov v42;
	v3 =	vor.u32 v56, v0;
	v2 =	vld.idx.msk [tilespmem:v4+s31+$0x0], $0xffff  }
0x22a: {  	v4 =	vor.u32 v45, v1;
	_ =	sdelay $0x3  }
0x22b: {  	v55 =	vmov v52;
	v52 =	vld [tilespmem:$0x1FEA0];
	[tilespmem:v3+s2+$0x0] =	vst.idx.msk $0xffff, v2  }
0x22c: {  	v2 =	vld.idx.msk [tilespmem:v4+s31+$0x0], $0xffff  }
0x22d: {  	v4 =	vld [tilespmem:$0x1FFD0];
	_ =	sdelay $0x3  }
0x22e: {  	v3 =	vor.u32 v52, v0  }
0x22f: {  	v59 =	vmov v54;
	v54 =	vld [tilespmem:$0x1FEB0];
	v44 =	vmov v4;
	v4 =	vor.u32 v4, v1;
	_ =	sdelay $0x3  }
0x230: {  	[tilespmem:v3+s2+$0x0] =	vst.idx.msk $0xffff, v2  }
0x231: {  	v3 =	vor.u32 v54, v0;
	v2 =	vld.idx.msk [tilespmem:v4+s31+$0x0], $0xffff  }
0x232: {  	v49 =	vmov v48;
	v48 =	vld [tilespmem:$0x1FEC0];
	v4 =	vor.u32 v57, v1;
	_ =	sdelay $0x3  }
0x233: {  	[tilespmem:v3+s2+$0x0] =	vst.idx.msk $0xffff, v2  }
0x234: {  	v3 =	vor.u32 v48, v0;
	v2 =	vld.idx.msk [tilespmem:v4+s31+$0x0], $0xffff  }
0x235: {  	v30 =	vld [tilespmem:$0x1FED0];
	v4 =	vor.u32 v49, v1;
	_ =	sdelay $0x3  }
0x236: {  	[tilespmem:v3+s2+$0x0] =	vst.idx.msk $0xffff, v2  }
0x237: {  	v53 =	vmov v50;
	v3 =	vor.u32 v30, v0;
	v2 =	vld.idx.msk [tilespmem:v4+s31+$0x0], $0xffff  }
0x238: {  	v50 =	vld [tilespmem:$0x1FEE0];
	v4 =	vor.u32 v53, v1;
	_ =	sdelay $0x3  }
0x239: {  	[tilespmem:v3+s2+$0x0] =	vst.idx.msk $0xffff, v2  }
0x23a: {  	v3 =	vor.u32 v50, v0;
	v2 =	vld.idx.msk [tilespmem:v4+s31+$0x0], $0xffff  }
0x23b: {  	v63 =	vmov v62;
	v62 =	vld [tilespmem:$0x1FEF0];
	v4 =	vor.u32 v55, v1;
	_ =	sdelay $0x3  }
0x23c: {  	[tilespmem:v3+s2+$0x0] =	vst.idx.msk $0xffff, v2  }
0x23d: {  	v3 =	vor.u32 v62, v0;
	v2 =	vld.idx.msk [tilespmem:v4+s31+$0x0], $0xffff  }
0x23e: {  	v42 =	vld [tilespmem:$0x1FF00];
	v4 =	vor.u32 v59, v1;
	_ =	sdelay $0x3  }
0x23f: {  	[tilespmem:v3+s2+$0x0] =	vst.idx.msk $0xffff, v2  }
0x240: {  	v3 =	vor.u32 v42, v0;
	v2 =	vld.idx.msk [tilespmem:v4+s31+$0x0], $0xffff  }
0x241: {  	v4 =	vor.u32 v61, v1;
	_ =	sdelay $0x3  }
0x242: {  	[tilespmem:v3+s2+$0x0] =	vst.idx.msk $0xffff, v2;
	v3 =	vld [tilespmem:$0x1FF10]  }
0x243: {  	v2 =	vld.idx.msk [tilespmem:v4+s31+$0x0], $0xffff  }
0x244: {  	v4 =	vld [tilespmem:$0x1FFE0];
	_ =	sdelay $0x3  }
0x245: {  	v3 =	vor.u32 v3, v0  }
0x246: {  	v58 =	vmov v4;
	v4 =	vor.u32 v4, v1;
	_ =	sdelay $0x3  }
0x247: {  	v32 =	vld [tilespmem:$0x1FF20];
	[tilespmem:v3+s2+$0x0] =	vst.idx.msk $0xffff, v2  }
0x248: {  	v2 =	vld.idx.msk [tilespmem:v4+s31+$0x0], $0xffff  }
0x249: {  	v4 =	vld [tilespmem:$0x1FFC0];
	_ =	sdelay $0x3  }
0x24a: {  	v3 =	vor.u32 v32, v0  }
0x24b: {  	v36 =	vld [tilespmem:$0x1FF30];
	v60 =	vmov v4;
	v4 =	vor.u32 v4, v1;
	_ =	sdelay $0x3  }
0x24c: {  	[tilespmem:v3+s2+$0x0] =	vst.idx.msk $0xffff, v2  }
0x24d: {  	v3 =	vor.u32 v36, v0;
	v2 =	vld.idx.msk [tilespmem:v4+s31+$0x0], $0xffff;
	_ =	sdelay $0x4  }
0x24e: {  	v4 =	vor.u32 v63, v1;
	[tilespmem:v3+s2+$0x0] =	vst.idx.msk $0xffff, v2;
	v3 =	vld [tilespmem:$0x1FF40];
	_ =	sdelay $0x4  }
0x24f: {  	v2 =	vld.idx.msk [tilespmem:v4+s31+$0x0], $0xffff;
	v3 =	vor.u32 v3, v0  }
0x250: {  	v4 =	vor.u32 v6, v1;
	_ =	sdelay $0x3  }
0x251: {  	[tilespmem:v3+s2+$0x0] =	vst.idx.msk $0xffff, v2;
	v3 =	vld [tilespmem:$0x1FF70]  }
0x252: {  	v2 =	vld.idx.msk [tilespmem:v4+s31+$0x0], $0xffff  }
0x253: {  	v4 =	vld [tilespmem:$0x1FF80];
	_ =	sdelay $0x3  }
0x254: {  	v23 =	vmov v3;
	v3 =	vor.u32 v3, v0  }
0x255: {  	v11 =	vmov v4;
	v4 =	vor.u32 v4, v1;
	_ =	sdelay $0x3  }
0x256: {  	[tilespmem:v3+s2+$0x0] =	vst.idx.msk $0xffff, v2;
	v3 =	vld [tilespmem:$0x1FF90]  }
0x257: {  	v2 =	vld.idx.msk [tilespmem:v4+s31+$0x0], $0xffff  }
0x258: {  	v4 =	vld [tilespmem:$0x1FFA0];
	_ =	sdelay $0x3  }
0x259: {  	v27 =	vmov v3;
	v3 =	vor.u32 v3, v0  }
0x25a: {  	v1 =	vor.u32 v4, v1  }
0x25b: {  	v26 =	vmov v16;
	v16 =	vld [tilespmem:$0x1FF60];
	_ =	sdelay $0x2  }
0x25c: {  	s22 =	simm.s32 $0x1;
	[tilespmem:v3+s2+$0x0] =	vst.idx.msk $0xffff, v2  }
0x25d: {  	v9 =	vmovc v6;
	s7 =	simm.s32 $0x2;
	v6 =	vlaneseq.u32;
	v28 =	vmov v4;
	v3 =	vadd.s32 s22, v5;
	v2 =	vld.idx.msk [tilespmem:v1+s31+$0x0], $0xffff  }
.LBB2_8:
0x25e: {  	v1 =	vand.u32 $0x1F, v3;
	v0 =	vor.u32 v16, v0  }
0x25f: {  	v4 =	vor.u32 v7, v1;
	_ =	sdelay $0x1  }
0x260: {  	v5 =	vshll.u32 v3, $0x9;
	v3 =	vshll.u32 v3, $0x7  }
0x261: {  	v5 =	vand.u32 $0x3000, v5;
	v3 =	vand.u32 $0x380, v3  }
0x262: {  	[tilespmem:v0+s2+$0x0] =	vst.idx.msk $0xffff, v2;
	v0 =	vor.u32 v3, v5  }
0x263: {  	v2 =	vld.idx.msk [tilespmem:v4+s31+$0x0], $0xffff;
	v3 =	vor.u32 v6, v0;
	_ =	sdelay $0x4  }
0x264: {  	v4 =	vor.u32 v35, v1;
	[tilespmem:v3+s2+$0x0] =	vst.idx.msk $0xffff, v2;
	v3 =	vld [tilespmem:$0x1FD90];
	_ =	sdelay $0x4  }
0x265: {  	v2 =	vld.idx.msk [tilespmem:v4+s31+$0x0], $0xffff;
	v3 =	vor.u32 v3, v0;
	_ =	sdelay $0x4  }
0x266: {  	v4 =	vor.u32 v21, v1;
	[tilespmem:v3+s2+$0x0] =	vst.idx.msk $0xffff, v2;
	v3 =	vld [tilespmem:$0x1FDA0];
	_ =	sdelay $0x4  }
0x267: {  	v2 =	vld.idx.msk [tilespmem:v4+s31+$0x0], $0xffff;
	v3 =	vor.u32 v3, v0  }
0x268: {  	v4 =	vor.u32 v24, v1;
	_ =	sdelay $0x3  }
0x269: {  	[tilespmem:v3+s2+$0x0] =	vst.idx.msk $0xffff, v2  }
0x26a: {  	v3 =	vor.u32 v13, v0;
	v2 =	vld.idx.msk [tilespmem:v4+s31+$0x0], $0xffff  }
0x26b: {  	v4 =	vor.u32 v15, v1;
	_ =	sdelay $0x3  }
0x26c: {  	[tilespmem:v3+s2+$0x0] =	vst.idx.msk $0xffff, v2  }
0x26d: {  	v3 =	vor.u32 v38, v0;
	v2 =	vld.idx.msk [tilespmem:v4+s31+$0x0], $0xffff  }
0x26e: {  	v4 =	vor.u32 v10, v1;
	_ =	sdelay $0x3  }
0x26f: {  	[tilespmem:v3+s2+$0x0] =	vst.idx.msk $0xffff, v2  }
0x270: {  	v3 =	vor.u32 v17, v0;
	v2 =	vld.idx.msk [tilespmem:v4+s31+$0x0], $0xffff  }
0x271: {  	v4 =	vor.u32 v12, v1;
	_ =	sdelay $0x3  }
0x272: {  	[tilespmem:v3+s2+$0x0] =	vst.idx.msk $0xffff, v2  }
0x273: {  	v3 =	vor.u32 v19, v0;
	v2 =	vld.idx.msk [tilespmem:v4+s31+$0x0], $0xffff  }
0x274: {  	v4 =	vor.u32 v14, v1;
	_ =	sdelay $0x3  }
0x275: {  	[tilespmem:v3+s2+$0x0] =	vst.idx.msk $0xffff, v2  }
0x276: {  	v3 =	vor.u32 v22, v0;
	v2 =	vld.idx.msk [tilespmem:v4+s31+$0x0], $0xffff;
	_ =	sdelay $0x4  }
0x277: {  	v4 =	vor.u32 v25, v1;
	[tilespmem:v3+s2+$0x0] =	vst.idx.msk $0xffff, v2;
	v3 =	vld [tilespmem:$0x1FE00];
	_ =	sdelay $0x4  }
0x278: {  	v2 =	vld.idx.msk [tilespmem:v4+s31+$0x0], $0xffff;
	v3 =	vor.u32 v3, v0  }
0x279: {  	v4 =	vor.u32 v18, v1;
	_ =	sdelay $0x3  }
0x27a: {  	[tilespmem:v3+s2+$0x0] =	vst.idx.msk $0xffff, v2  }
0x27b: {  	v3 =	vor.u32 v34, v0;
	v2 =	vld.idx.msk [tilespmem:v4+s31+$0x0], $0xffff;
	_ =	sdelay $0x4  }
0x27c: {  	v4 =	vor.u32 v26, v1;
	[tilespmem:v3+s2+$0x0] =	vst.idx.msk $0xffff, v2;
	v3 =	vld [tilespmem:$0x1FE20];
	_ =	sdelay $0x4  }
0x27d: {  	v2 =	vld.idx.msk [tilespmem:v4+s31+$0x0], $0xffff;
	v3 =	vor.u32 v3, v0  }
0x27e: {  	v4 =	vor.u32 v29, v1;
	_ =	sdelay $0x3  }
0x27f: {  	[tilespmem:v3+s2+$0x0] =	vst.idx.msk $0xffff, v2  }
0x280: {  	v3 =	vor.u32 v40, v0;
	v2 =	vld.idx.msk [tilespmem:v4+s31+$0x0], $0xffff  }
0x281: {  	v4 =	vor.u32 v8, v1;
	_ =	sdelay $0x3  }
0x282: {  	[tilespmem:v3+s2+$0x0] =	vst.idx.msk $0xffff, v2  }
0x283: {  	v3 =	vor.u32 v31, v0;
	v2 =	vld.idx.msk [tilespmem:v4+s31+$0x0], $0xffff  }
0x284: {  	v4 =	vor.u32 v41, v1;
	_ =	sdelay $0x3  }
0x285: {  	[tilespmem:v3+s2+$0x0] =	vst.idx.msk $0xffff, v2  }
0x286: {  	v3 =	vor.u32 v33, v0;
	v2 =	vld.idx.msk [tilespmem:v4+s31+$0x0], $0xffff  }
0x287: {  	v4 =	vor.u32 v39, v1;
	_ =	sdelay $0x3  }
0x288: {  	[tilespmem:v3+s2+$0x0] =	vst.idx.msk $0xffff, v2  }
0x289: {  	v3 =	vor.u32 v20, v0;
	v2 =	vld.idx.msk [tilespmem:v4+s31+$0x0], $0xffff  }
0x28a: {  	v4 =	vor.u32 v47, v1;
	_ =	sdelay $0x3  }
0x28b: {  	[tilespmem:v3+s2+$0x0] =	vst.idx.msk $0xffff, v2  }
0x28c: {  	v3 =	vor.u32 v37, v0;
	v2 =	vld.idx.msk [tilespmem:v4+s31+$0x0], $0xffff  }
0x28d: {  	v4 =	vor.u32 v51, v1;
	_ =	sdelay $0x3  }
0x28e: {  	[tilespmem:v3+s2+$0x0] =	vst.idx.msk $0xffff, v2  }
0x28f: {  	v3 =	vor.u32 v46, v0;
	v2 =	vld.idx.msk [tilespmem:v4+s31+$0x0], $0xffff  }
0x290: {  	v4 =	vor.u32 v43, v1;
	_ =	sdelay $0x3  }
0x291: {  	[tilespmem:v3+s2+$0x0] =	vst.idx.msk $0xffff, v2  }
0x292: {  	v3 =	vor.u32 v56, v0;
	v2 =	vld.idx.msk [tilespmem:v4+s31+$0x0], $0xffff  }
0x293: {  	v4 =	vor.u32 v45, v1;
	_ =	sdelay $0x3  }
0x294: {  	[tilespmem:v3+s2+$0x0] =	vst.idx.msk $0xffff, v2  }
0x295: {  	v3 =	vor.u32 v52, v0;
	v2 =	vld.idx.msk [tilespmem:v4+s31+$0x0], $0xffff  }
0x296: {  	v4 =	vor.u32 v44, v1;
	_ =	sdelay $0x3  }
0x297: {  	[tilespmem:v3+s2+$0x0] =	vst.idx.msk $0xffff, v2  }
0x298: {  	v3 =	vor.u32 v54, v0;
	v2 =	vld.idx.msk [tilespmem:v4+s31+$0x0], $0xffff  }
0x299: {  	v4 =	vor.u32 v57, v1;
	_ =	sdelay $0x3  }
0x29a: {  	[tilespmem:v3+s2+$0x0] =	vst.idx.msk $0xffff, v2  }
0x29b: {  	v3 =	vor.u32 v48, v0;
	v2 =	vld.idx.msk [tilespmem:v4+s31+$0x0], $0xffff  }
0x29c: {  	v4 =	vor.u32 v49, v1;
	_ =	sdelay $0x3  }
0x29d: {  	[tilespmem:v3+s2+$0x0] =	vst.idx.msk $0xffff, v2  }
0x29e: {  	v3 =	vor.u32 v30, v0;
	v2 =	vld.idx.msk [tilespmem:v4+s31+$0x0], $0xffff  }
0x29f: {  	v4 =	vor.u32 v53, v1;
	_ =	sdelay $0x3  }
0x2a0: {  	[tilespmem:v3+s2+$0x0] =	vst.idx.msk $0xffff, v2  }
0x2a1: {  	v3 =	vor.u32 v50, v0;
	v2 =	vld.idx.msk [tilespmem:v4+s31+$0x0], $0xffff  }
0x2a2: {  	v4 =	vor.u32 v55, v1;
	_ =	sdelay $0x3  }
0x2a3: {  	[tilespmem:v3+s2+$0x0] =	vst.idx.msk $0xffff, v2  }
0x2a4: {  	v3 =	vor.u32 v62, v0;
	v2 =	vld.idx.msk [tilespmem:v4+s31+$0x0], $0xffff  }
0x2a5: {  	v4 =	vor.u32 v59, v1;
	_ =	sdelay $0x3  }
0x2a6: {  	[tilespmem:v3+s2+$0x0] =	vst.idx.msk $0xffff, v2  }
0x2a7: {  	v3 =	vor.u32 v42, v0;
	v2 =	vld.idx.msk [tilespmem:v4+s31+$0x0], $0xffff;
	_ =	sdelay $0x4  }
0x2a8: {  	v4 =	vor.u32 v61, v1;
	[tilespmem:v3+s2+$0x0] =	vst.idx.msk $0xffff, v2;
	v3 =	vld [tilespmem:$0x1FF10];
	_ =	sdelay $0x4  }
0x2a9: {  	v2 =	vld.idx.msk [tilespmem:v4+s31+$0x0], $0xffff;
	v3 =	vor.u32 v3, v0  }
0x2aa: {  	v4 =	vor.u32 v58, v1;
	_ =	sdelay $0x3  }
0x2ab: {  	[tilespmem:v3+s2+$0x0] =	vst.idx.msk $0xffff, v2  }
0x2ac: {  	v3 =	vor.u32 v32, v0;
	v2 =	vld.idx.msk [tilespmem:v4+s31+$0x0], $0xffff  }
0x2ad: {  	v4 =	vor.u32 v60, v1;
	_ =	sdelay $0x3  }
0x2ae: {  	[tilespmem:v3+s2+$0x0] =	vst.idx.msk $0xffff, v2  }
0x2af: {  	v3 =	vor.u32 v36, v0;
	v2 =	vld.idx.msk [tilespmem:v4+s31+$0x0], $0xffff;
	_ =	sdelay $0x4  }
0x2b0: {  	v4 =	vor.u32 v63, v1;
	[tilespmem:v3+s2+$0x0] =	vst.idx.msk $0xffff, v2;
	v3 =	vld [tilespmem:$0x1FF40];
	_ =	sdelay $0x4  }
0x2b1: {  	v2 =	vld.idx.msk [tilespmem:v4+s31+$0x0], $0xffff;
	v3 =	vor.u32 v3, v0  }
0x2b2: {  	v4 =	vor.u32 v9, v1;
	_ =	sdelay $0x3  }
0x2b3: {  	[tilespmem:v3+s2+$0x0] =	vst.idx.msk $0xffff, v2  }
0x2b4: {  	v3 =	vor.u32 v23, v0;
	v2 =	vld.idx.msk [tilespmem:v4+s31+$0x0], $0xffff  }
0x2b5: {  	v4 =	vor.u32 v11, v1;
	_ =	sdelay $0x3  }
0x2b6: {  	[tilespmem:v3+s2+$0x0] =	vst.idx.msk $0xffff, v2  }
0x2b7: {  	v3 =	vor.u32 v27, v0;
	v2 =	vld.idx.msk [tilespmem:v4+s31+$0x0], $0xffff  }
0x2b8: {  	p0 =	sne.s32 s7, $0x1F;
	v1 =	vor.u32 v28, v1  }
.Ltmp3:
0x2b9: {  	_ = 	snop;
	(pc) =	sbr.rel @p0 .LBB2_8-.Ltmp3, $3  }
0x2ba: {  	_ =	sdelay $0x1  }
0x2bb: {  	[tilespmem:v3+s2+$0x0] =	vst.idx.msk $0xffff, v2  }
0x2bc: {  	v3 =	vadd.s32 s7, v6;
	s7 =	sadd.s32 $0x1, s7;
	v2 =	vld.idx.msk [tilespmem:v1+s31+$0x0], $0xffff  }
0x2bd: {  	v1 =	vand.u32 $0x1F, v3;
	v0 =	vor.u32 v16, v0  }
0x2be: {  	v4 =	vor.u32 v7, v1;
	_ =	sdelay $0x1  }
0x2bf: {  	v5 =	vshll.u32 v3, $0x9;
	v3 =	vshll.u32 v3, $0x7  }
0x2c0: {  	v5 =	vand.u32 $0x3000, v5;
	v3 =	vand.u32 $0x380, v3  }
0x2c1: {  	[tilespmem:v0+s2+$0x0] =	vst.idx.msk $0xffff, v2;
	v0 =	vor.u32 v3, v5  }
0x2c2: {  	v2 =	vld.idx.msk [tilespmem:v4+s31+$0x0], $0xffff;
	v3 =	vor.u32 v6, v0;
	_ =	sdelay $0x4  }
0x2c3: {  	v4 =	vor.u32 v35, v1;
	[tilespmem:v3+s2+$0x0] =	vst.idx.msk $0xffff, v2;
	v3 =	vld [tilespmem:$0x1FD90];
	_ =	sdelay $0x4  }
0x2c4: {  	v2 =	vld.idx.msk [tilespmem:v4+s31+$0x0], $0xffff;
	v3 =	vor.u32 v3, v0;
	_ =	sdelay $0x4  }
0x2c5: {  	v4 =	vor.u32 v21, v1;
	[tilespmem:v3+s2+$0x0] =	vst.idx.msk $0xffff, v2;
	v3 =	vld [tilespmem:$0x1FDA0];
	_ =	sdelay $0x4  }
0x2c6: {  	v2 =	vld.idx.msk [tilespmem:v4+s31+$0x0], $0xffff;
	v3 =	vor.u32 v3, v0  }
0x2c7: {  	v4 =	vor.u32 v24, v1;
	_ =	sdelay $0x3  }
0x2c8: {  	[tilespmem:v3+s2+$0x0] =	vst.idx.msk $0xffff, v2  }
0x2c9: {  	v3 =	vor.u32 v13, v0;
	v2 =	vld.idx.msk [tilespmem:v4+s31+$0x0], $0xffff  }
0x2ca: {  	v4 =	vor.u32 v15, v1;
	_ =	sdelay $0x3  }
0x2cb: {  	[tilespmem:v3+s2+$0x0] =	vst.idx.msk $0xffff, v2  }
0x2cc: {  	v3 =	vor.u32 v38, v0;
	v2 =	vld.idx.msk [tilespmem:v4+s31+$0x0], $0xffff  }
0x2cd: {  	v4 =	vor.u32 v10, v1;
	_ =	sdelay $0x3  }
0x2ce: {  	[tilespmem:v3+s2+$0x0] =	vst.idx.msk $0xffff, v2  }
0x2cf: {  	v3 =	vor.u32 v17, v0;
	v2 =	vld.idx.msk [tilespmem:v4+s31+$0x0], $0xffff  }
0x2d0: {  	v4 =	vor.u32 v12, v1;
	_ =	sdelay $0x3  }
0x2d1: {  	[tilespmem:v3+s2+$0x0] =	vst.idx.msk $0xffff, v2  }
0x2d2: {  	v3 =	vor.u32 v19, v0;
	v2 =	vld.idx.msk [tilespmem:v4+s31+$0x0], $0xffff  }
0x2d3: {  	v4 =	vor.u32 v14, v1;
	_ =	sdelay $0x3  }
0x2d4: {  	[tilespmem:v3+s2+$0x0] =	vst.idx.msk $0xffff, v2  }
0x2d5: {  	v3 =	vor.u32 v22, v0;
	v2 =	vld.idx.msk [tilespmem:v4+s31+$0x0], $0xffff;
	_ =	sdelay $0x4  }
0x2d6: {  	v4 =	vor.u32 v25, v1;
	[tilespmem:v3+s2+$0x0] =	vst.idx.msk $0xffff, v2;
	v3 =	vld [tilespmem:$0x1FE00];
	_ =	sdelay $0x4  }
0x2d7: {  	v2 =	vld.idx.msk [tilespmem:v4+s31+$0x0], $0xffff;
	v3 =	vor.u32 v3, v0  }
0x2d8: {  	v4 =	vor.u32 v18, v1;
	_ =	sdelay $0x3  }
0x2d9: {  	[tilespmem:v3+s2+$0x0] =	vst.idx.msk $0xffff, v2  }
0x2da: {  	v3 =	vor.u32 v34, v0;
	v2 =	vld.idx.msk [tilespmem:v4+s31+$0x0], $0xffff;
	_ =	sdelay $0x4  }
0x2db: {  	v4 =	vor.u32 v26, v1;
	[tilespmem:v3+s2+$0x0] =	vst.idx.msk $0xffff, v2;
	v3 =	vld [tilespmem:$0x1FE20];
	_ =	sdelay $0x4  }
0x2dc: {  	v2 =	vld.idx.msk [tilespmem:v4+s31+$0x0], $0xffff;
	v3 =	vor.u32 v3, v0  }
0x2dd: {  	v4 =	vor.u32 v29, v1;
	_ =	sdelay $0x3  }
0x2de: {  	[tilespmem:v3+s2+$0x0] =	vst.idx.msk $0xffff, v2  }
0x2df: {  	v3 =	vor.u32 v40, v0;
	v2 =	vld.idx.msk [tilespmem:v4+s31+$0x0], $0xffff  }
0x2e0: {  	v4 =	vor.u32 v8, v1;
	_ =	sdelay $0x3  }
0x2e1: {  	[tilespmem:v3+s2+$0x0] =	vst.idx.msk $0xffff, v2  }
0x2e2: {  	v3 =	vor.u32 v31, v0;
	v2 =	vld.idx.msk [tilespmem:v4+s31+$0x0], $0xffff  }
0x2e3: {  	v4 =	vor.u32 v41, v1;
	_ =	sdelay $0x3  }
0x2e4: {  	[tilespmem:v3+s2+$0x0] =	vst.idx.msk $0xffff, v2  }
0x2e5: {  	v3 =	vor.u32 v33, v0;
	v2 =	vld.idx.msk [tilespmem:v4+s31+$0x0], $0xffff  }
0x2e6: {  	v4 =	vor.u32 v39, v1;
	_ =	sdelay $0x3  }
0x2e7: {  	[tilespmem:v3+s2+$0x0] =	vst.idx.msk $0xffff, v2  }
0x2e8: {  	v3 =	vor.u32 v20, v0;
	v2 =	vld.idx.msk [tilespmem:v4+s31+$0x0], $0xffff  }
0x2e9: {  	v4 =	vor.u32 v47, v1;
	_ =	sdelay $0x3  }
0x2ea: {  	[tilespmem:v3+s2+$0x0] =	vst.idx.msk $0xffff, v2  }
0x2eb: {  	v3 =	vor.u32 v37, v0;
	v2 =	vld.idx.msk [tilespmem:v4+s31+$0x0], $0xffff  }
0x2ec: {  	v4 =	vor.u32 v51, v1;
	_ =	sdelay $0x3  }
0x2ed: {  	[tilespmem:v3+s2+$0x0] =	vst.idx.msk $0xffff, v2  }
0x2ee: {  	v3 =	vor.u32 v46, v0;
	v2 =	vld.idx.msk [tilespmem:v4+s31+$0x0], $0xffff  }
0x2ef: {  	v4 =	vor.u32 v43, v1;
	_ =	sdelay $0x3  }
0x2f0: {  	[tilespmem:v3+s2+$0x0] =	vst.idx.msk $0xffff, v2  }
0x2f1: {  	v3 =	vor.u32 v56, v0;
	v2 =	vld.idx.msk [tilespmem:v4+s31+$0x0], $0xffff  }
0x2f2: {  	v4 =	vor.u32 v45, v1;
	_ =	sdelay $0x3  }
0x2f3: {  	[tilespmem:v3+s2+$0x0] =	vst.idx.msk $0xffff, v2  }
0x2f4: {  	v3 =	vor.u32 v52, v0;
	v2 =	vld.idx.msk [tilespmem:v4+s31+$0x0], $0xffff  }
0x2f5: {  	v4 =	vor.u32 v44, v1;
	_ =	sdelay $0x3  }
0x2f6: {  	[tilespmem:v3+s2+$0x0] =	vst.idx.msk $0xffff, v2  }
0x2f7: {  	v3 =	vor.u32 v54, v0;
	v2 =	vld.idx.msk [tilespmem:v4+s31+$0x0], $0xffff  }
0x2f8: {  	v4 =	vor.u32 v57, v1;
	_ =	sdelay $0x3  }
0x2f9: {  	[tilespmem:v3+s2+$0x0] =	vst.idx.msk $0xffff, v2  }
0x2fa: {  	v3 =	vor.u32 v48, v0;
	v2 =	vld.idx.msk [tilespmem:v4+s31+$0x0], $0xffff  }
0x2fb: {  	v4 =	vor.u32 v49, v1;
	_ =	sdelay $0x3  }
0x2fc: {  	[tilespmem:v3+s2+$0x0] =	vst.idx.msk $0xffff, v2  }
0x2fd: {  	v3 =	vor.u32 v30, v0;
	v2 =	vld.idx.msk [tilespmem:v4+s31+$0x0], $0xffff  }
0x2fe: {  	v4 =	vor.u32 v53, v1;
	_ =	sdelay $0x3  }
0x2ff: {  	[tilespmem:v3+s2+$0x0] =	vst.idx.msk $0xffff, v2  }
0x300: {  	v3 =	vor.u32 v50, v0;
	v2 =	vld.idx.msk [tilespmem:v4+s31+$0x0], $0xffff  }
0x301: {  	v4 =	vor.u32 v55, v1;
	_ =	sdelay $0x3  }
0x302: {  	[tilespmem:v3+s2+$0x0] =	vst.idx.msk $0xffff, v2  }
0x303: {  	v3 =	vor.u32 v62, v0;
	v2 =	vld.idx.msk [tilespmem:v4+s31+$0x0], $0xffff  }
0x304: {  	v4 =	vor.u32 v59, v1;
	_ =	sdelay $0x3  }
0x305: {  	[tilespmem:v3+s2+$0x0] =	vst.idx.msk $0xffff, v2  }
0x306: {  	v3 =	vor.u32 v42, v0;
	v2 =	vld.idx.msk [tilespmem:v4+s31+$0x0], $0xffff;
	_ =	sdelay $0x4  }
0x307: {  	v4 =	vor.u32 v61, v1;
	[tilespmem:v3+s2+$0x0] =	vst.idx.msk $0xffff, v2;
	v3 =	vld [tilespmem:$0x1FF10];
	_ =	sdelay $0x4  }
0x308: {  	v2 =	vld.idx.msk [tilespmem:v4+s31+$0x0], $0xffff;
	v3 =	vor.u32 v3, v0  }
0x309: {  	v4 =	vor.u32 v58, v1;
	_ =	sdelay $0x3  }
0x30a: {  	[tilespmem:v3+s2+$0x0] =	vst.idx.msk $0xffff, v2  }
0x30b: {  	v3 =	vor.u32 v32, v0;
	v2 =	vld.idx.msk [tilespmem:v4+s31+$0x0], $0xffff  }
0x30c: {  	v4 =	vor.u32 v60, v1;
	_ =	sdelay $0x3  }
0x30d: {  	[tilespmem:v3+s2+$0x0] =	vst.idx.msk $0xffff, v2  }
0x30e: {  	v3 =	vor.u32 v36, v0;
	v2 =	vld.idx.msk [tilespmem:v4+s31+$0x0], $0xffff;
	_ =	sdelay $0x4  }
0x30f: {  	v4 =	vor.u32 v63, v1;
	[tilespmem:v3+s2+$0x0] =	vst.idx.msk $0xffff, v2;
	v3 =	vld [tilespmem:$0x1FF40];
	_ =	sdelay $0x4  }
0x310: {  	v2 =	vld.idx.msk [tilespmem:v4+s31+$0x0], $0xffff;
	v3 =	vor.u32 v3, v0  }
0x311: {  	v4 =	vor.u32 v9, v1;
	_ =	sdelay $0x3  }
0x312: {  	[tilespmem:v3+s2+$0x0] =	vst.idx.msk $0xffff, v2  }
0x313: {  	v3 =	vor.u32 v23, v0;
	v2 =	vld.idx.msk [tilespmem:v4+s31+$0x0], $0xffff  }
0x314: {  	v4 =	vor.u32 v11, v1;
	_ =	sdelay $0x3  }
0x315: {  	[tilespmem:v3+s2+$0x0] =	vst.idx.msk $0xffff, v2  }
0x316: {  	v3 =	vor.u32 v27, v0;
	v2 =	vld.idx.msk [tilespmem:v4+s31+$0x0], $0xffff  }
0x317: {  	v1 =	vor.u32 v28, v1;
	_ =	sdelay $0x3  }
0x318: {  	[tilespmem:v3+s2+$0x0] =	vst.idx.msk $0xffff, v2  }
0x319: {  	v0 =	vor.u32 v16, v0;
	v1 =	vld.idx.msk [tilespmem:v1+s31+$0x0], $0xffff;
	_ =	sdelay $0x4  }
0x31a: {  	s0 =	sadd.s32 s8, s14;
	s25 =	sadd.s32 $0x1, s25;
	[tilespmem:v0+s2+$0x0] =	vst.idx.msk $0xffff, v1  }
0x31b: {  	[hbm4b:s0+s4] =	stream.linear.scatter [tilespmem:s2], [sflag:$0x6], $0x1000, $0x38;
	[tilespmem:$0x10400] =	vst v63  }
0x31c: {  	s22 =	sadd.s32 s8, s15;
	s3 =	simm.s32 $0xD400;
	p0 =	sne.s32 s25, $0x64  }
0x31d: {  	[hbm4b:s22+s4] =	stream.linear.scatter [tilespmem:s3], [sflag:$0x6], $0x1000, $0x38;
	[tilespmem:$0x10400] =	vst v63  }
.Ltmp4:
0x31e: {  	_ = 	snop;
	(pc) =	sbr.rel @p0 .LBB2_2-.Ltmp4, $4  }
0x31f: {  	s7 =	simm.s32 $0xE400;
	v7 =	vmov v10;
	v5 =	vmov v35;
	s3 =	sadd.s32 s8, s16  }
0x320: {  	v6 =	vmovc v24;
	v24 =	vmovc v18;
	v10 =	vmov v12;
	v22 =	vmov v25;
	v25 =	vmov v11;
	[hbm4b:s3+s4] =	stream.linear.scatter [tilespmem:s7], [sflag:$0x6], $0x1000, $0x38;
	[tilespmem:$0x10400] =	vst v63  }
0x321: {  	s18 =	sadd.s32 s8, s17;
	v13 =	vmovc v28;
	v19 =	vmovc v10;
	v17 =	vmov v25;
	v33 =	vmov v9;
	v20 =	vmov v14;
	s22 =	simm.s32 $0xF400  }
0x322: {  	v30 =	vmovc v8;
	v11 =	vmovc v23;
	v23 =	vmov v27;
	v4 =	vlaneseq.u32;
	v3 =	vld [tilespmem:$0x1FFF0];
	v2 =	vmov v15;
	[hbm4b:s18+s4] =	stream.linear.scatter [tilespmem:s22], [sflag:$0x6], $0x1000, $0x38  }
0x323: {  	_ =	swait.ge [sflag:s23], $0x1000  }
0x324: {  	[sflag:s23] =	ssyncset.done $0x0  }
0x325: {  	[sflag:s23] =	ssyncadd.s32 $0xFFFFF000  }
0x326: {  	_ =	swait.ge [sflag:s23], $0x1000  }
0x327: {  	[sflag:s23] =	ssyncset.done $0x0  }
0x328: {  	[sflag:s23] =	ssyncadd.s32 $0xFFFFF000  }
0x329: {  	_ =	swait.ge [sflag:s23], $0x1000  }
0x32a: {  	[sflag:s23] =	ssyncset.done $0x0  }
0x32b: {  	[sflag:s23] =	ssyncadd.s32 $0xFFFFF000  }
0x32c: {  	_ =	swait.ge [sflag:s23], $0x1000  }
0x32d: {  	[sflag:s23] =	ssyncset.done $0x0  }
0x32e: {  	[sflag:s23] =	ssyncadd.s32 $0xFFFFF000  }
0x32f: {  	_ =	swait.ge [sflag:s24], $0x1000  }
0x330: {  	[sflag:s24] =	ssyncset.done $0x0  }
0x331: {  	[sflag:s24] =	ssyncadd.s32 $0xFFFFF000  }
0x332: {  	_ =	swait.ge [sflag:s24], $0x1000  }
0x333: {  	[sflag:s24] =	ssyncset.done $0x0  }
0x334: {  	[sflag:s24] =	ssyncadd.s32 $0xFFFFF000  }
0x335: {  	_ =	swait.ge [sflag:s24], $0x1000  }
0x336: {  	[sflag:s24] =	ssyncset.done $0x0  }
0x337: {  	[sflag:s24] =	ssyncadd.s32 $0xFFFFF000  }
0x338: {  	_ =	swait.ge [sflag:s24], $0x1000  }
0x339: {  	s3 =	rddreg [dreg:$0x7]  }
0x33a: {  	s0 =	rddreg [dreg:$0x6];
	s3 =	sadd.s32 $0x1, s3  }
0x33b: {  	p0 =	sne.s32 s3, s0  }
.Ltmp5:
0x33c: {  	_ = 	snop;
	(pc) =	sbr.rel @p0 .LBB2_1-.Ltmp5, $3  }
0x33d: {  	_ =	sdelay $0x1  }
0x33e: {  	[sflag:s24] =	ssyncset.done $0x0  }
0x33f: {  	[sflag:s24] =	ssyncadd.s32 $0xFFFFF000  }
0x340: {  	_ =	sfence.sel $0x180000  }
0x341: {  	[bflag:$0x0] =	sbarrier.arrive $0xFFFF  }
0x342: {  	_ =	strace $0x90000047  }
0x343: {  	s0 =	stileid.u32;
	[bflag:$0x2] =	sbarrier.arrive $0xFFFF  }
0x344: {  	p0 =	sne.s32 s0, $0x0;
	s0 =	rddreg [dreg:$0x3]  }
0x345: {  	s0 =	sadd.s32 @!p0 $0x100000, s0  }
0x346: {  	[sflag:s0] =	ssyncadd.tile.s32 @!p0 $0x1;
	_ =	shalt  }
.Lfunc_end2:
_tile_overlayer_lowered:
.L_overlay_start_2:
0x347: {  	(tag) =	ssettag $0x2  }
0x348: {  	s0 =	rddreg [dreg:$0x0];
	s2 =	stileid.u32  }
0x349: {  	s1 =	rddreg [dreg:$0x1];
	p0 =	sne.s32 s2, $0x0  }
0x34a: {  	s3 =	rddreg [dreg:$0x2];
	[bflag:$0x3] =	sbarrier.arrive $0xFFFF;
	s2 =	simm.s32 @!p0 $0x1C07  }
0x34b: {  	[timem:s3], [sflag:s2] =	dma.local @!p0 [hbm:s0], s1  }
0x34c: {  	s0 =	simm.s32 @!p0 $0x7  }
0x34d: {  	_ =	swait.ge @!p0 [sflag:s0], s1  }
0x34e: {  	s1 =	ssub.s32 @!p0 $0x0, s1;
	[sflag:s0] =	ssyncset.done @!p0 $0x0  }
0x34f: {  	[sflag:s0] =	ssyncadd.s32 @!p0 s1  }
0x350: {  	[bflag:$0x3] =	sbarrier.arrive $0xFFFF  }
0x351: {  	_ =	shalt  }

</sc_bundles>
